<compile_context>
chip_gen: v7x
topology: tpu7x:2x2x1
jax: 0.10.2.dev20260603
libtpu: 0.0.44.dev20260713+nightly
codegen_flags: <defaults>
</compile_context>

<pallas_src>
import functools

import jax
import jax.numpy as jnp
from jax import lax
from jax.experimental import pallas as pl
from jax.experimental.pallas import tpu as pltpu
from jax.experimental.pallas import tpu_sc as plsc

_RC = 16
_NBUF = 7


def _make_lookup(n, d, dtype):
    info = plsc.get_sparse_core_info()
    nc, ns = info.num_cores, info.num_subcores
    nw = nc * ns
    rows_per_w = n // nw
    rc, nbuf = _RC, _NBUF
    nchunks = rows_per_w // rc
    mesh = plsc.VectorSubcoreMesh(core_axis_name="c", subcore_axis_name="s")

    scratch = [pltpu.VMEM((rc, d), dtype) for _ in range(nbuf)]
    scratch += [pltpu.SemaphoreType.DMA for _ in range(2 * nbuf)]

    @functools.partial(
        pl.kernel,
        mesh=mesh,
        out_type=jax.ShapeDtypeStruct((n, d), dtype),
        scratch_types=scratch,
    )
    def lookup(table_hbm, out_hbm, *refs):
        bufs = refs[:nbuf]
        isems = refs[nbuf : 2 * nbuf]
        osems = refs[2 * nbuf :]
        wid = lax.axis_index("s") * nc + lax.axis_index("c")
        base = wid * rows_per_w

        cin = [None] * nchunks
        cout = [None] * nchunks
        for j in range(min(nbuf - 1, nchunks)):
            cin[j] = pltpu.async_copy(
                table_hbm.at[pl.ds(base + j * rc, rc)], bufs[j % nbuf], isems[j % nbuf]
            )
        for i in range(nchunks):
            j = i + nbuf - 1
            if j < nchunks:
                if j - nbuf >= 0:
                    cout[j - nbuf].wait()
                cin[j] = pltpu.async_copy(
                    table_hbm.at[pl.ds(base + j * rc, rc)],
                    bufs[j % nbuf],
                    isems[j % nbuf],
                )
            cin[i].wait()
            cout[i] = pltpu.async_copy(
                bufs[i % nbuf], out_hbm.at[pl.ds(base + i * rc, rc)], osems[i % nbuf]
            )
        for i in range(max(0, nchunks - nbuf), nchunks):
            cout[i].wait()

    return lookup


def kernel(seq_length, table):
    n, d = table.shape
    out = _make_lookup(n, d, table.dtype)(table)
    return out.reshape(1, n, d)

# --- scband reference (transcript-rebuilt; emitter-appended) ---
"""Pipeline reference for scband-positional-embedding-67087389163761 (READ-ONLY COPY).

The authoritative reference and input builder live on the scoring server;
editing this copy changes nothing except your own understanding.
"""

import jax, jax.numpy as jnp
import numpy as np

MAX_POSITION = 8192
EMBEDDING_DIM = 1024

def setup_inputs(seed: int = 0) -> dict:
    key = jax.random.key(seed)
    table = jax.random.normal(key, (MAX_POSITION, EMBEDDING_DIM), dtype=jnp.float32)
    return {"seq_length": 8192, "table": table}

def reference(seq_length, table):
    # positions: [1, seq_length]
    n = table.shape[0]
    zero = (jnp.asarray(seq_length) * 0).astype(jnp.int32)
    positions = (jnp.arange(n, dtype=jnp.int32) + zero)[None, :]
    # embedding lookup -> [1, seq_length, embedding_dim]
    out = jnp.take(table, positions, axis=0)
    return out

if __name__ == "__main__":
    import jax
    _d = setup_inputs()
    print(jax.jit(kernel)(*tuple(_d.values())))

</pallas_src>

<mosaic_0001>
#map = affine_map<(d0, d1) -> (0, 0)>
module attributes {stable_mosaic.version = 14 : i64} {
  func.func @lookup(%arg0: i32, %arg1: i32, %arg2: memref<8192x1024xf32, #tpu.memory_space<hbm>>, %arg3: memref<8192x1024xf32, #tpu.memory_space<hbm>>, %arg4: memref<16x1024xf32, #tpu.memory_space<vmem>>, %arg5: memref<16x1024xf32, #tpu.memory_space<vmem>>, %arg6: memref<16x1024xf32, #tpu.memory_space<vmem>>, %arg7: memref<16x1024xf32, #tpu.memory_space<vmem>>, %arg8: memref<16x1024xf32, #tpu.memory_space<vmem>>, %arg9: memref<16x1024xf32, #tpu.memory_space<vmem>>, %arg10: memref<16x1024xf32, #tpu.memory_space<vmem>>, %arg11: memref<!tpu.dma_semaphore, #tpu.memory_space<semaphore_mem>>, %arg12: memref<!tpu.dma_semaphore, #tpu.memory_space<semaphore_mem>>, %arg13: memref<!tpu.dma_semaphore, #tpu.memory_space<semaphore_mem>>, %arg14: memref<!tpu.dma_semaphore, #tpu.memory_space<semaphore_mem>>, %arg15: memref<!tpu.dma_semaphore, #tpu.memory_space<semaphore_mem>>, %arg16: memref<!tpu.dma_semaphore, #tpu.memory_space<semaphore_mem>>, %arg17: memref<!tpu.dma_semaphore, #tpu.memory_space<semaphore_mem>>, %arg18: memref<!tpu.dma_semaphore, #tpu.memory_space<semaphore_mem>>, %arg19: memref<!tpu.dma_semaphore, #tpu.memory_space<semaphore_mem>>, %arg20: memref<!tpu.dma_semaphore, #tpu.memory_space<semaphore_mem>>, %arg21: memref<!tpu.dma_semaphore, #tpu.memory_space<semaphore_mem>>, %arg22: memref<!tpu.dma_semaphore, #tpu.memory_space<semaphore_mem>>, %arg23: memref<!tpu.dma_semaphore, #tpu.memory_space<semaphore_mem>>, %arg24: memref<!tpu.dma_semaphore, #tpu.memory_space<semaphore_mem>>) attributes {dimension_semantics = [#tpu.dimension_semantics<core_parallel>, #tpu.dimension_semantics<subcore_parallel>], iteration_bounds = array<i64: 2, 16>, scalar_prefetch = 0 : i64, scratch_operands = 21 : i64, tpu.core_type = #tpu.core_type<sc_vector_subcore>, window_params = [{transform_indices = #map}, {transform_indices = #map}]} {
    %mul3A = arith.constant 2 : i32
    %mul3A_0 = arith.muli %arg1, %mul3A : i32
    %add3A = arith.addi %mul3A_0, %arg0 : i32
    %mul3A_1 = arith.constant 256 : i32
    %mul3A_2 = arith.muli %add3A, %mul3A_1 : i32
    %add3A_3 = arith.constant 0 : i32
    %add3A_4 = arith.addi %mul3A_2, %add3A_3 : i32
    %dma_start3A = arith.constant 0 : i32
    %dma_start3A_5 = tpu.memref_slice %arg2[%add3A_4, %dma_start3A] : memref<8192x1024xf32, #tpu.memory_space<hbm>> -> memref<16x1024xf32, #tpu.memory_space<hbm>>
    %dma_start3A_6 = arith.constant 0 : i32
    %dma_start3A_7 = tpu.memref_slice %arg2[%add3A_4, %dma_start3A_6] : memref<8192x1024xf32, #tpu.memory_space<hbm>> -> memref<16x1024xf32, #tpu.memory_space<hbm>>
    tpu.enqueue_dma source(%dma_start3A_7 : memref<16x1024xf32, #tpu.memory_space<hbm>>) target(%arg4 : memref<16x1024xf32, #tpu.memory_space<vmem>>) target_semaphore(%arg11 : memref<!tpu.dma_semaphore, #tpu.memory_space<semaphore_mem>>)
    %add3A_8 = arith.constant 16 : i32
    %add3A_9 = arith.addi %mul3A_2, %add3A_8 : i32
    %dma_start3A_10 = arith.constant 0 : i32
    %dma_start3A_11 = tpu.memref_slice %arg2[%add3A_9, %dma_start3A_10] : memref<8192x1024xf32, #tpu.memory_space<hbm>> -> memref<16x1024xf32, #tpu.memory_space<hbm>>
    %dma_start3A_12 = arith.constant 0 : i32
    %dma_start3A_13 = tpu.memref_slice %arg2[%add3A_9, %dma_start3A_12] : memref<8192x1024xf32, #tpu.memory_space<hbm>> -> memref<16x1024xf32, #tpu.memory_space<hbm>>
    tpu.enqueue_dma source(%dma_start3A_13 : memref<16x1024xf32, #tpu.memory_space<hbm>>) target(%arg5 : memref<16x1024xf32, #tpu.memory_space<vmem>>) target_semaphore(%arg12 : memref<!tpu.dma_semaphore, #tpu.memory_space<semaphore_mem>>)
    %add3A_14 = arith.constant 32 : i32
    %add3A_15 = arith.addi %mul3A_2, %add3A_14 : i32
    %dma_start3A_16 = arith.constant 0 : i32
    %dma_start3A_17 = tpu.memref_slice %arg2[%add3A_15, %dma_start3A_16] : memref<8192x1024xf32, #tpu.memory_space<hbm>> -> memref<16x1024xf32, #tpu.memory_space<hbm>>
    %dma_start3A_18 = arith.constant 0 : i32
    %dma_start3A_19 = tpu.memref_slice %arg2[%add3A_15, %dma_start3A_18] : memref<8192x1024xf32, #tpu.memory_space<hbm>> -> memref<16x1024xf32, #tpu.memory_space<hbm>>
    tpu.enqueue_dma source(%dma_start3A_19 : memref<16x1024xf32, #tpu.memory_space<hbm>>) target(%arg6 : memref<16x1024xf32, #tpu.memory_space<vmem>>) target_semaphore(%arg13 : memref<!tpu.dma_semaphore, #tpu.memory_space<semaphore_mem>>)
    %add3A_20 = arith.constant 48 : i32
    %add3A_21 = arith.addi %mul3A_2, %add3A_20 : i32
    %dma_start3A_22 = arith.constant 0 : i32
    %dma_start3A_23 = tpu.memref_slice %arg2[%add3A_21, %dma_start3A_22] : memref<8192x1024xf32, #tpu.memory_space<hbm>> -> memref<16x1024xf32, #tpu.memory_space<hbm>>
    %dma_start3A_24 = arith.constant 0 : i32
    %dma_start3A_25 = tpu.memref_slice %arg2[%add3A_21, %dma_start3A_24] : memref<8192x1024xf32, #tpu.memory_space<hbm>> -> memref<16x1024xf32, #tpu.memory_space<hbm>>
    tpu.enqueue_dma source(%dma_start3A_25 : memref<16x1024xf32, #tpu.memory_space<hbm>>) target(%arg7 : memref<16x1024xf32, #tpu.memory_space<vmem>>) target_semaphore(%arg14 : memref<!tpu.dma_semaphore, #tpu.memory_space<semaphore_mem>>)
    %add3A_26 = arith.constant 64 : i32
    %add3A_27 = arith.addi %mul3A_2, %add3A_26 : i32
    %dma_start3A_28 = arith.constant 0 : i32
    %dma_start3A_29 = tpu.memref_slice %arg2[%add3A_27, %dma_start3A_28] : memref<8192x1024xf32, #tpu.memory_space<hbm>> -> memref<16x1024xf32, #tpu.memory_space<hbm>>
    %dma_start3A_30 = arith.constant 0 : i32
    %dma_start3A_31 = tpu.memref_slice %arg2[%add3A_27, %dma_start3A_30] : memref<8192x1024xf32, #tpu.memory_space<hbm>> -> memref<16x1024xf32, #tpu.memory_space<hbm>>
    tpu.enqueue_dma source(%dma_start3A_31 : memref<16x1024xf32, #tpu.memory_space<hbm>>) target(%arg8 : memref<16x1024xf32, #tpu.memory_space<vmem>>) target_semaphore(%arg15 : memref<!tpu.dma_semaphore, #tpu.memory_space<semaphore_mem>>)
    %add3A_32 = arith.constant 80 : i32
    %add3A_33 = arith.addi %mul3A_2, %add3A_32 : i32
    %dma_start3A_34 = arith.constant 0 : i32
    %dma_start3A_35 = tpu.memref_slice %arg2[%add3A_33, %dma_start3A_34] : memref<8192x1024xf32, #tpu.memory_space<hbm>> -> memref<16x1024xf32, #tpu.memory_space<hbm>>
    %dma_start3A_36 = arith.constant 0 : i32
    %dma_start3A_37 = tpu.memref_slice %arg2[%add3A_33, %dma_start3A_36] : memref<8192x1024xf32, #tpu.memory_space<hbm>> -> memref<16x1024xf32, #tpu.memory_space<hbm>>
    tpu.enqueue_dma source(%dma_start3A_37 : memref<16x1024xf32, #tpu.memory_space<hbm>>) target(%arg9 : memref<16x1024xf32, #tpu.memory_space<vmem>>) target_semaphore(%arg16 : memref<!tpu.dma_semaphore, #tpu.memory_space<semaphore_mem>>)
    %add3A_38 = arith.constant 96 : i32
    %add3A_39 = arith.addi %mul3A_2, %add3A_38 : i32
    %dma_start3A_40 = arith.constant 0 : i32
    %dma_start3A_41 = tpu.memref_slice %arg2[%add3A_39, %dma_start3A_40] : memref<8192x1024xf32, #tpu.memory_space<hbm>> -> memref<16x1024xf32, #tpu.memory_space<hbm>>
    %dma_start3A_42 = arith.constant 0 : i32
    %dma_start3A_43 = tpu.memref_slice %arg2[%add3A_39, %dma_start3A_42] : memref<8192x1024xf32, #tpu.memory_space<hbm>> -> memref<16x1024xf32, #tpu.memory_space<hbm>>
    tpu.enqueue_dma source(%dma_start3A_43 : memref<16x1024xf32, #tpu.memory_space<hbm>>) target(%arg10 : memref<16x1024xf32, #tpu.memory_space<vmem>>) target_semaphore(%arg17 : memref<!tpu.dma_semaphore, #tpu.memory_space<semaphore_mem>>)
    %dma_wait3A = arith.constant 0 : i32
    %dma_wait3A_44 = tpu.memref_slice %arg2[%add3A_4, %dma_wait3A] : memref<8192x1024xf32, #tpu.memory_space<hbm>> -> memref<16x1024xf32, #tpu.memory_space<hbm>>
    %dma_wait3A_45 = arith.constant 0 : i32
    %dma_wait3A_46 = tpu.memref_slice %arg2[%add3A_4, %dma_wait3A_45] : memref<8192x1024xf32, #tpu.memory_space<hbm>> -> memref<16x1024xf32, #tpu.memory_space<hbm>>
    tpu.wait_dma2 semaphore(%arg11 : memref<!tpu.dma_semaphore, #tpu.memory_space<semaphore_mem>>) src(%dma_wait3A_46 : memref<16x1024xf32, #tpu.memory_space<hbm>>) dst(%arg4 : memref<16x1024xf32, #tpu.memory_space<vmem>>)
    %add3A_47 = arith.constant 0 : i32
    %add3A_48 = arith.addi %mul3A_2, %add3A_47 : i32
    %dma_start3A_49 = arith.constant 0 : i32
    %dma_start3A_50 = tpu.memref_slice %arg3[%add3A_48, %dma_start3A_49] : memref<8192x1024xf32, #tpu.memory_space<hbm>> -> memref<16x1024xf32, #tpu.memory_space<hbm>>
    %dma_start3A_51 = arith.constant 0 : i32
    %dma_start3A_52 = tpu.memref_slice %arg3[%add3A_48, %dma_start3A_51] : memref<8192x1024xf32, #tpu.memory_space<hbm>> -> memref<16x1024xf32, #tpu.memory_space<hbm>>
    tpu.enqueue_dma source(%arg4 : memref<16x1024xf32, #tpu.memory_space<vmem>>) target(%dma_start3A_52 : memref<16x1024xf32, #tpu.memory_space<hbm>>) target_semaphore(%arg18 : memref<!tpu.dma_semaphore, #tpu.memory_space<semaphore_mem>>)
    %dma_wait3A_53 = arith.constant 0 : i32
    %dma_wait3A_54 = tpu.memref_slice %arg3[%add3A_48, %dma_wait3A_53] : memref<8192x1024xf32, #tpu.memory_space<hbm>> -> memref<16x1024xf32, #tpu.memory_space<hbm>>
    %dma_wait3A_55 = arith.constant 0 : i32
    %dma_wait3A_56 = tpu.memref_slice %arg3[%add3A_48, %dma_wait3A_55] : memref<8192x1024xf32, #tpu.memory_space<hbm>> -> memref<16x1024xf32, #tpu.memory_space<hbm>>
    tpu.wait_dma2 semaphore(%arg18 : memref<!tpu.dma_semaphore, #tpu.memory_space<semaphore_mem>>) src(%arg4 : memref<16x1024xf32, #tpu.memory_space<vmem>>) dst(%dma_wait3A_56 : memref<16x1024xf32, #tpu.memory_space<hbm>>)
    %add3A_57 = arith.constant 112 : i32
    %add3A_58 = arith.addi %mul3A_2, %add3A_57 : i32
    %dma_start3A_59 = arith.constant 0 : i32
    %dma_start3A_60 = tpu.memref_slice %arg2[%add3A_58, %dma_start3A_59] : memref<8192x1024xf32, #tpu.memory_space<hbm>> -> memref<16x1024xf32, #tpu.memory_space<hbm>>
    %dma_start3A_61 = arith.constant 0 : i32
    %dma_start3A_62 = tpu.memref_slice %arg2[%add3A_58, %dma_start3A_61] : memref<8192x1024xf32, #tpu.memory_space<hbm>> -> memref<16x1024xf32, #tpu.memory_space<hbm>>
    tpu.enqueue_dma source(%dma_start3A_62 : memref<16x1024xf32, #tpu.memory_space<hbm>>) target(%arg4 : memref<16x1024xf32, #tpu.memory_space<vmem>>) target_semaphore(%arg11 : memref<!tpu.dma_semaphore, #tpu.memory_space<semaphore_mem>>)
    %dma_wait3A_63 = arith.constant 0 : i32
    %dma_wait3A_64 = tpu.memref_slice %arg2[%add3A_9, %dma_wait3A_63] : memref<8192x1024xf32, #tpu.memory_space<hbm>> -> memref<16x1024xf32, #tpu.memory_space<hbm>>
    %dma_wait3A_65 = arith.constant 0 : i32
    %dma_wait3A_66 = tpu.memref_slice %arg2[%add3A_9, %dma_wait3A_65] : memref<8192x1024xf32, #tpu.memory_space<hbm>> -> memref<16x1024xf32, #tpu.memory_space<hbm>>
    tpu.wait_dma2 semaphore(%arg12 : memref<!tpu.dma_semaphore, #tpu.memory_space<semaphore_mem>>) src(%dma_wait3A_66 : memref<16x1024xf32, #tpu.memory_space<hbm>>) dst(%arg5 : memref<16x1024xf32, #tpu.memory_space<vmem>>)
    %add3A_67 = arith.constant 16 : i32
    %add3A_68 = arith.addi %mul3A_2, %add3A_67 : i32
    %dma_start3A_69 = arith.constant 0 : i32
    %dma_start3A_70 = tpu.memref_slice %arg3[%add3A_68, %dma_start3A_69] : memref<8192x1024xf32, #tpu.memory_space<hbm>> -> memref<16x1024xf32, #tpu.memory_space<hbm>>
    %dma_start3A_71 = arith.constant 0 : i32
    %dma_start3A_72 = tpu.memref_slice %arg3[%add3A_68, %dma_start3A_71] : memref<8192x1024xf32, #tpu.memory_space<hbm>> -> memref<16x1024xf32, #tpu.memory_space<hbm>>
    tpu.enqueue_dma source(%arg5 : memref<16x1024xf32, #tpu.memory_space<vmem>>) target(%dma_start3A_72 : memref<16x1024xf32, #tpu.memory_space<hbm>>) target_semaphore(%arg19 : memref<!tpu.dma_semaphore, #tpu.memory_space<semaphore_mem>>)
    %dma_wait3A_73 = arith.constant 0 : i32
    %dma_wait3A_74 = tpu.memref_slice %arg3[%add3A_68, %dma_wait3A_73] : memref<8192x1024xf32, #tpu.memory_space<hbm>> -> memref<16x1024xf32, #tpu.memory_space<hbm>>
    %dma_wait3A_75 = arith.constant 0 : i32
    %dma_wait3A_76 = tpu.memref_slice %arg3[%add3A_68, %dma_wait3A_75] : memref<8192x1024xf32, #tpu.memory_space<hbm>> -> memref<16x1024xf32, #tpu.memory_space<hbm>>
    tpu.wait_dma2 semaphore(%arg19 : memref<!tpu.dma_semaphore, #tpu.memory_space<semaphore_mem>>) src(%arg5 : memref<16x1024xf32, #tpu.memory_space<vmem>>) dst(%dma_wait3A_76 : memref<16x1024xf32, #tpu.memory_space<hbm>>)
    %add3A_77 = arith.constant 128 : i32
    %add3A_78 = arith.addi %mul3A_2, %add3A_77 : i32
    %dma_start3A_79 = arith.constant 0 : i32
    %dma_start3A_80 = tpu.memref_slice %arg2[%add3A_78, %dma_start3A_79] : memref<8192x1024xf32, #tpu.memory_space<hbm>> -> memref<16x1024xf32, #tpu.memory_space<hbm>>
    %dma_start3A_81 = arith.constant 0 : i32
    %dma_start3A_82 = tpu.memref_slice %arg2[%add3A_78, %dma_start3A_81] : memref<8192x1024xf32, #tpu.memory_space<hbm>> -> memref<16x1024xf32, #tpu.memory_space<hbm>>
    tpu.enqueue_dma source(%dma_start3A_82 : memref<16x1024xf32, #tpu.memory_space<hbm>>) target(%arg5 : memref<16x1024xf32, #tpu.memory_space<vmem>>) target_semaphore(%arg12 : memref<!tpu.dma_semaphore, #tpu.memory_space<semaphore_mem>>)
    %dma_wait3A_83 = arith.constant 0 : i32
    %dma_wait3A_84 = tpu.memref_slice %arg2[%add3A_15, %dma_wait3A_83] : memref<8192x1024xf32, #tpu.memory_space<hbm>> -> memref<16x1024xf32, #tpu.memory_space<hbm>>
    %dma_wait3A_85 = arith.constant 0 : i32
    %dma_wait3A_86 = tpu.memref_slice %arg2[%add3A_15, %dma_wait3A_85] : memref<8192x1024xf32, #tpu.memory_space<hbm>> -> memref<16x1024xf32, #tpu.memory_space<hbm>>
    tpu.wait_dma2 semaphore(%arg13 : memref<!tpu.dma_semaphore, #tpu.memory_space<semaphore_mem>>) src(%dma_wait3A_86 : memref<16x1024xf32, #tpu.memory_space<hbm>>) dst(%arg6 : memref<16x1024xf32, #tpu.memory_space<vmem>>)
    %add3A_87 = arith.constant 32 : i32
    %add3A_88 = arith.addi %mul3A_2, %add3A_87 : i32
    %dma_start3A_89 = arith.constant 0 : i32
    %dma_start3A_90 = tpu.memref_slice %arg3[%add3A_88, %dma_start3A_89] : memref<8192x1024xf32, #tpu.memory_space<hbm>> -> memref<16x1024xf32, #tpu.memory_space<hbm>>
    %dma_start3A_91 = arith.constant 0 : i32
    %dma_start3A_92 = tpu.memref_slice %arg3[%add3A_88, %dma_start3A_91] : memref<8192x1024xf32, #tpu.memory_space<hbm>> -> memref<16x1024xf32, #tpu.memory_space<hbm>>
    tpu.enqueue_dma source(%arg6 : memref<16x1024xf32, #tpu.memory_space<vmem>>) target(%dma_start3A_92 : memref<16x1024xf32, #tpu.memory_space<hbm>>) target_semaphore(%arg20 : memref<!tpu.dma_semaphore, #tpu.memory_space<semaphore_mem>>)
    %dma_wait3A_93 = arith.constant 0 : i32
    %dma_wait3A_94 = tpu.memref_slice %arg3[%add3A_88, %dma_wait3A_93] : memref<8192x1024xf32, #tpu.memory_space<hbm>> -> memref<16x1024xf32, #tpu.memory_space<hbm>>
    %dma_wait3A_95 = arith.constant 0 : i32
    %dma_wait3A_96 = tpu.memref_slice %arg3[%add3A_88, %dma_wait3A_95] : memref<8192x1024xf32, #tpu.memory_space<hbm>> -> memref<16x1024xf32, #tpu.memory_space<hbm>>
    tpu.wait_dma2 semaphore(%arg20 : memref<!tpu.dma_semaphore, #tpu.memory_space<semaphore_mem>>) src(%arg6 : memref<16x1024xf32, #tpu.memory_space<vmem>>) dst(%dma_wait3A_96 : memref<16x1024xf32, #tpu.memory_space<hbm>>)
    %add3A_97 = arith.constant 144 : i32
    %add3A_98 = arith.addi %mul3A_2, %add3A_97 : i32
    %dma_start3A_99 = arith.constant 0 : i32
    %dma_start3A_100 = tpu.memref_slice %arg2[%add3A_98, %dma_start3A_99] : memref<8192x1024xf32, #tpu.memory_space<hbm>> -> memref<16x1024xf32, #tpu.memory_space<hbm>>
    %dma_start3A_101 = arith.constant 0 : i32
    %dma_start3A_102 = tpu.memref_slice %arg2[%add3A_98, %dma_start3A_101] : memref<8192x1024xf32, #tpu.memory_space<hbm>> -> memref<16x1024xf32, #tpu.memory_space<hbm>>
    tpu.enqueue_dma source(%dma_start3A_102 : memref<16x1024xf32, #tpu.memory_space<hbm>>) target(%arg6 : memref<16x1024xf32, #tpu.memory_space<vmem>>) target_semaphore(%arg13 : memref<!tpu.dma_semaphore, #tpu.memory_space<semaphore_mem>>)
    %dma_wait3A_103 = arith.constant 0 : i32
    %dma_wait3A_104 = tpu.memref_slice %arg2[%add3A_21, %dma_wait3A_103] : memref<8192x1024xf32, #tpu.memory_space<hbm>> -> memref<16x1024xf32, #tpu.memory_space<hbm>>
    %dma_wait3A_105 = arith.constant 0 : i32
    %dma_wait3A_106 = tpu.memref_slice %arg2[%add3A_21, %dma_wait3A_105] : memref<8192x1024xf32, #tpu.memory_space<hbm>> -> memref<16x1024xf32, #tpu.memory_space<hbm>>
    tpu.wait_dma2 semaphore(%arg14 : memref<!tpu.dma_semaphore, #tpu.memory_space<semaphore_mem>>) src(%dma_wait3A_106 : memref<16x1024xf32, #tpu.memory_space<hbm>>) dst(%arg7 : memref<16x1024xf32, #tpu.memory_space<vmem>>)
    %add3A_107 = arith.constant 48 : i32
    %add3A_108 = arith.addi %mul3A_2, %add3A_107 : i32
    %dma_start3A_109 = arith.constant 0 : i32
    %dma_start3A_110 = tpu.memref_slice %arg3[%add3A_108, %dma_start3A_109] : memref<8192x1024xf32, #tpu.memory_space<hbm>> -> memref<16x1024xf32, #tpu.memory_space<hbm>>
    %dma_start3A_111 = arith.constant 0 : i32
    %dma_start3A_112 = tpu.memref_slice %arg3[%add3A_108, %dma_start3A_111] : memref<8192x1024xf32, #tpu.memory_space<hbm>> -> memref<16x1024xf32, #tpu.memory_space<hbm>>
    tpu.enqueue_dma source(%arg7 : memref<16x1024xf32, #tpu.memory_space<vmem>>) target(%dma_start3A_112 : memref<16x1024xf32, #tpu.memory_space<hbm>>) target_semaphore(%arg21 : memref<!tpu.dma_semaphore, #tpu.memory_space<semaphore_mem>>)
    %dma_wait3A_113 = arith.constant 0 : i32
    %dma_wait3A_114 = tpu.memref_slice %arg3[%add3A_108, %dma_wait3A_113] : memref<8192x1024xf32, #tpu.memory_space<hbm>> -> memref<16x1024xf32, #tpu.memory_space<hbm>>
    %dma_wait3A_115 = arith.constant 0 : i32
    %dma_wait3A_116 = tpu.memref_slice %arg3[%add3A_108, %dma_wait3A_115] : memref<8192x1024xf32, #tpu.memory_space<hbm>> -> memref<16x1024xf32, #tpu.memory_space<hbm>>
    tpu.wait_dma2 semaphore(%arg21 : memref<!tpu.dma_semaphore, #tpu.memory_space<semaphore_mem>>) src(%arg7 : memref<16x1024xf32, #tpu.memory_space<vmem>>) dst(%dma_wait3A_116 : memref<16x1024xf32, #tpu.memory_space<hbm>>)
    %add3A_117 = arith.constant 160 : i32
    %add3A_118 = arith.addi %mul3A_2, %add3A_117 : i32
    %dma_start3A_119 = arith.constant 0 : i32
    %dma_start3A_120 = tpu.memref_slice %arg2[%add3A_118, %dma_start3A_119] : memref<8192x1024xf32, #tpu.memory_space<hbm>> -> memref<16x1024xf32, #tpu.memory_space<hbm>>
    %dma_start3A_121 = arith.constant 0 : i32
    %dma_start3A_122 = tpu.memref_slice %arg2[%add3A_118, %dma_start3A_121] : memref<8192x1024xf32, #tpu.memory_space<hbm>> -> memref<16x1024xf32, #tpu.memory_space<hbm>>
    tpu.enqueue_dma source(%dma_start3A_122 : memref<16x1024xf32, #tpu.memory_space<hbm>>) target(%arg7 : memref<16x1024xf32, #tpu.memory_space<vmem>>) target_semaphore(%arg14 : memref<!tpu.dma_semaphore, #tpu.memory_space<semaphore_mem>>)
    %dma_wait3A_123 = arith.constant 0 : i32
    %dma_wait3A_124 = tpu.memref_slice %arg2[%add3A_27, %dma_wait3A_123] : memref<8192x1024xf32, #tpu.memory_space<hbm>> -> memref<16x1024xf32, #tpu.memory_space<hbm>>
    %dma_wait3A_125 = arith.constant 0 : i32
    %dma_wait3A_126 = tpu.memref_slice %arg2[%add3A_27, %dma_wait3A_125] : memref<8192x1024xf32, #tpu.memory_space<hbm>> -> memref<16x1024xf32, #tpu.memory_space<hbm>>
    tpu.wait_dma2 semaphore(%arg15 : memref<!tpu.dma_semaphore, #tpu.memory_space<semaphore_mem>>) src(%dma_wait3A_126 : memref<16x1024xf32, #tpu.memory_space<hbm>>) dst(%arg8 : memref<16x1024xf32, #tpu.memory_space<vmem>>)
    %add3A_127 = arith.constant 64 : i32
    %add3A_128 = arith.addi %mul3A_2, %add3A_127 : i32
    %dma_start3A_129 = arith.constant 0 : i32
    %dma_start3A_130 = tpu.memref_slice %arg3[%add3A_128, %dma_start3A_129] : memref<8192x1024xf32, #tpu.memory_space<hbm>> -> memref<16x1024xf32, #tpu.memory_space<hbm>>
    %dma_start3A_131 = arith.constant 0 : i32
    %dma_start3A_132 = tpu.memref_slice %arg3[%add3A_128, %dma_start3A_131] : memref<8192x1024xf32, #tpu.memory_space<hbm>> -> memref<16x1024xf32, #tpu.memory_space<hbm>>
    tpu.enqueue_dma source(%arg8 : memref<16x1024xf32, #tpu.memory_space<vmem>>) target(%dma_start3A_132 : memref<16x1024xf32, #tpu.memory_space<hbm>>) target_semaphore(%arg22 : memref<!tpu.dma_semaphore, #tpu.memory_space<semaphore_mem>>)
    %dma_wait3A_133 = arith.constant 0 : i32
    %dma_wait3A_134 = tpu.memref_slice %arg3[%add3A_128, %dma_wait3A_133] : memref<8192x1024xf32, #tpu.memory_space<hbm>> -> memref<16x1024xf32, #tpu.memory_space<hbm>>
    %dma_wait3A_135 = arith.constant 0 : i32
    %dma_wait3A_136 = tpu.memref_slice %arg3[%add3A_128, %dma_wait3A_135] : memref<8192x1024xf32, #tpu.memory_space<hbm>> -> memref<16x1024xf32, #tpu.memory_space<hbm>>
    tpu.wait_dma2 semaphore(%arg22 : memref<!tpu.dma_semaphore, #tpu.memory_space<semaphore_mem>>) src(%arg8 : memref<16x1024xf32, #tpu.memory_space<vmem>>) dst(%dma_wait3A_136 : memref<16x1024xf32, #tpu.memory_space<hbm>>)
    %add3A_137 = arith.constant 176 : i32
    %add3A_138 = arith.addi %mul3A_2, %add3A_137 : i32
    %dma_start3A_139 = arith.constant 0 : i32
    %dma_start3A_140 = tpu.memref_slice %arg2[%add3A_138, %dma_start3A_139] : memref<8192x1024xf32, #tpu.memory_space<hbm>> -> memref<16x1024xf32, #tpu.memory_space<hbm>>
    %dma_start3A_141 = arith.constant 0 : i32
    %dma_start3A_142 = tpu.memref_slice %arg2[%add3A_138, %dma_start3A_141] : memref<8192x1024xf32, #tpu.memory_space<hbm>> -> memref<16x1024xf32, #tpu.memory_space<hbm>>
    tpu.enqueue_dma source(%dma_start3A_142 : memref<16x1024xf32, #tpu.memory_space<hbm>>) target(%arg8 : memref<16x1024xf32, #tpu.memory_space<vmem>>) target_semaphore(%arg15 : memref<!tpu.dma_semaphore, #tpu.memory_space<semaphore_mem>>)
    %dma_wait3A_143 = arith.constant 0 : i32
    %dma_wait3A_144 = tpu.memref_slice %arg2[%add3A_33, %dma_wait3A_143] : memref<8192x1024xf32, #tpu.memory_space<hbm>> -> memref<16x1024xf32, #tpu.memory_space<hbm>>
    %dma_wait3A_145 = arith.constant 0 : i32
    %dma_wait3A_146 = tpu.memref_slice %arg2[%add3A_33, %dma_wait3A_145] : memref<8192x1024xf32, #tpu.memory_space<hbm>> -> memref<16x1024xf32, #tpu.memory_space<hbm>>
    tpu.wait_dma2 semaphore(%arg16 : memref<!tpu.dma_semaphore, #tpu.memory_space<semaphore_mem>>) src(%dma_wait3A_146 : memref<16x1024xf32, #tpu.memory_space<hbm>>) dst(%arg9 : memref<16x1024xf32, #tpu.memory_space<vmem>>)
    %add3A_147 = arith.constant 80 : i32
    %add3A_148 = arith.addi %mul3A_2, %add3A_147 : i32
    %dma_start3A_149 = arith.constant 0 : i32
    %dma_start3A_150 = tpu.memref_slice %arg3[%add3A_148, %dma_start3A_149] : memref<8192x1024xf32, #tpu.memory_space<hbm>> -> memref<16x1024xf32, #tpu.memory_space<hbm>>
    %dma_start3A_151 = arith.constant 0 : i32
    %dma_start3A_152 = tpu.memref_slice %arg3[%add3A_148, %dma_start3A_151] : memref<8192x1024xf32, #tpu.memory_space<hbm>> -> memref<16x1024xf32, #tpu.memory_space<hbm>>
    tpu.enqueue_dma source(%arg9 : memref<16x1024xf32, #tpu.memory_space<vmem>>) target(%dma_start3A_152 : memref<16x1024xf32, #tpu.memory_space<hbm>>) target_semaphore(%arg23 : memref<!tpu.dma_semaphore, #tpu.memory_space<semaphore_mem>>)
    %dma_wait3A_153 = arith.constant 0 : i32
    %dma_wait3A_154 = tpu.memref_slice %arg3[%add3A_148, %dma_wait3A_153] : memref<8192x1024xf32, #tpu.memory_space<hbm>> -> memref<16x1024xf32, #tpu.memory_space<hbm>>
    %dma_wait3A_155 = arith.constant 0 : i32
    %dma_wait3A_156 = tpu.memref_slice %arg3[%add3A_148, %dma_wait3A_155] : memref<8192x1024xf32, #tpu.memory_space<hbm>> -> memref<16x1024xf32, #tpu.memory_space<hbm>>
    tpu.wait_dma2 semaphore(%arg23 : memref<!tpu.dma_semaphore, #tpu.memory_space<semaphore_mem>>) src(%arg9 : memref<16x1024xf32, #tpu.memory_space<vmem>>) dst(%dma_wait3A_156 : memref<16x1024xf32, #tpu.memory_space<hbm>>)
    %add3A_157 = arith.constant 192 : i32
    %add3A_158 = arith.addi %mul3A_2, %add3A_157 : i32
    %dma_start3A_159 = arith.constant 0 : i32
    %dma_start3A_160 = tpu.memref_slice %arg2[%add3A_158, %dma_start3A_159] : memref<8192x1024xf32, #tpu.memory_space<hbm>> -> memref<16x1024xf32, #tpu.memory_space<hbm>>
    %dma_start3A_161 = arith.constant 0 : i32
    %dma_start3A_162 = tpu.memref_slice %arg2[%add3A_158, %dma_start3A_161] : memref<8192x1024xf32, #tpu.memory_space<hbm>> -> memref<16x1024xf32, #tpu.memory_space<hbm>>
    tpu.enqueue_dma source(%dma_start3A_162 : memref<16x1024xf32, #tpu.memory_space<hbm>>) target(%arg9 : memref<16x1024xf32, #tpu.memory_space<vmem>>) target_semaphore(%arg16 : memref<!tpu.dma_semaphore, #tpu.memory_space<semaphore_mem>>)
    %dma_wait3A_163 = arith.constant 0 : i32
    %dma_wait3A_164 = tpu.memref_slice %arg2[%add3A_39, %dma_wait3A_163] : memref<8192x1024xf32, #tpu.memory_space<hbm>> -> memref<16x1024xf32, #tpu.memory_space<hbm>>
    %dma_wait3A_165 = arith.constant 0 : i32
    %dma_wait3A_166 = tpu.memref_slice %arg2[%add3A_39, %dma_wait3A_165] : memref<8192x1024xf32, #tpu.memory_space<hbm>> -> memref<16x1024xf32, #tpu.memory_space<hbm>>
    tpu.wait_dma2 semaphore(%arg17 : memref<!tpu.dma_semaphore, #tpu.memory_space<semaphore_mem>>) src(%dma_wait3A_166 : memref<16x1024xf32, #tpu.memory_space<hbm>>) dst(%arg10 : memref<16x1024xf32, #tpu.memory_space<vmem>>)
    %add3A_167 = arith.constant 96 : i32
    %add3A_168 = arith.addi %mul3A_2, %add3A_167 : i32
    %dma_start3A_169 = arith.constant 0 : i32
    %dma_start3A_170 = tpu.memref_slice %arg3[%add3A_168, %dma_start3A_169] : memref<8192x1024xf32, #tpu.memory_space<hbm>> -> memref<16x1024xf32, #tpu.memory_space<hbm>>
    %dma_start3A_171 = arith.constant 0 : i32
    %dma_start3A_172 = tpu.memref_slice %arg3[%add3A_168, %dma_start3A_171] : memref<8192x1024xf32, #tpu.memory_space<hbm>> -> memref<16x1024xf32, #tpu.memory_space<hbm>>
    tpu.enqueue_dma source(%arg10 : memref<16x1024xf32, #tpu.memory_space<vmem>>) target(%dma_start3A_172 : memref<16x1024xf32, #tpu.memory_space<hbm>>) target_semaphore(%arg24 : memref<!tpu.dma_semaphore, #tpu.memory_space<semaphore_mem>>)
    %dma_wait3A_173 = arith.constant 0 : i32
    %dma_wait3A_174 = tpu.memref_slice %arg3[%add3A_168, %dma_wait3A_173] : memref<8192x1024xf32, #tpu.memory_space<hbm>> -> memref<16x1024xf32, #tpu.memory_space<hbm>>
    %dma_wait3A_175 = arith.constant 0 : i32
    %dma_wait3A_176 = tpu.memref_slice %arg3[%add3A_168, %dma_wait3A_175] : memref<8192x1024xf32, #tpu.memory_space<hbm>> -> memref<16x1024xf32, #tpu.memory_space<hbm>>
    tpu.wait_dma2 semaphore(%arg24 : memref<!tpu.dma_semaphore, #tpu.memory_space<semaphore_mem>>) src(%arg10 : memref<16x1024xf32, #tpu.memory_space<vmem>>) dst(%dma_wait3A_176 : memref<16x1024xf32, #tpu.memory_space<hbm>>)
    %add3A_177 = arith.constant 208 : i32
    %add3A_178 = arith.addi %mul3A_2, %add3A_177 : i32
    %dma_start3A_179 = arith.constant 0 : i32
    %dma_start3A_180 = tpu.memref_slice %arg2[%add3A_178, %dma_start3A_179] : memref<8192x1024xf32, #tpu.memory_space<hbm>> -> memref<16x1024xf32, #tpu.memory_space<hbm>>
    %dma_start3A_181 = arith.constant 0 : i32
    %dma_start3A_182 = tpu.memref_slice %arg2[%add3A_178, %dma_start3A_181] : memref<8192x1024xf32, #tpu.memory_space<hbm>> -> memref<16x1024xf32, #tpu.memory_space<hbm>>
    tpu.enqueue_dma source(%dma_start3A_182 : memref<16x1024xf32, #tpu.memory_space<hbm>>) target(%arg10 : memref<16x1024xf32, #tpu.memory_space<vmem>>) target_semaphore(%arg17 : memref<!tpu.dma_semaphore, #tpu.memory_space<semaphore_mem>>)
    %dma_wait3A_183 = arith.constant 0 : i32
    %dma_wait3A_184 = tpu.memref_slice %arg2[%add3A_58, %dma_wait3A_183] : memref<8192x1024xf32, #tpu.memory_space<hbm>> -> memref<16x1024xf32, #tpu.memory_space<hbm>>
    %dma_wait3A_185 = arith.constant 0 : i32
    %dma_wait3A_186 = tpu.memref_slice %arg2[%add3A_58, %dma_wait3A_185] : memref<8192x1024xf32, #tpu.memory_space<hbm>> -> memref<16x1024xf32, #tpu.memory_space<hbm>>
    tpu.wait_dma2 semaphore(%arg11 : memref<!tpu.dma_semaphore, #tpu.memory_space<semaphore_mem>>) src(%dma_wait3A_186 : memref<16x1024xf32, #tpu.memory_space<hbm>>) dst(%arg4 : memref<16x1024xf32, #tpu.memory_space<vmem>>)
    %add3A_187 = arith.constant 112 : i32
    %add3A_188 = arith.addi %mul3A_2, %add3A_187 : i32
    %dma_start3A_189 = arith.constant 0 : i32
    %dma_start3A_190 = tpu.memref_slice %arg3[%add3A_188, %dma_start3A_189] : memref<8192x1024xf32, #tpu.memory_space<hbm>> -> memref<16x1024xf32, #tpu.memory_space<hbm>>
    %dma_start3A_191 = arith.constant 0 : i32
    %dma_start3A_192 = tpu.memref_slice %arg3[%add3A_188, %dma_start3A_191] : memref<8192x1024xf32, #tpu.memory_space<hbm>> -> memref<16x1024xf32, #tpu.memory_space<hbm>>
    tpu.enqueue_dma source(%arg4 : memref<16x1024xf32, #tpu.memory_space<vmem>>) target(%dma_start3A_192 : memref<16x1024xf32, #tpu.memory_space<hbm>>) target_semaphore(%arg18 : memref<!tpu.dma_semaphore, #tpu.memory_space<semaphore_mem>>)
    %dma_wait3A_193 = arith.constant 0 : i32
    %dma_wait3A_194 = tpu.memref_slice %arg3[%add3A_188, %dma_wait3A_193] : memref<8192x1024xf32, #tpu.memory_space<hbm>> -> memref<16x1024xf32, #tpu.memory_space<hbm>>
    %dma_wait3A_195 = arith.constant 0 : i32
    %dma_wait3A_196 = tpu.memref_slice %arg3[%add3A_188, %dma_wait3A_195] : memref<8192x1024xf32, #tpu.memory_space<hbm>> -> memref<16x1024xf32, #tpu.memory_space<hbm>>
    tpu.wait_dma2 semaphore(%arg18 : memref<!tpu.dma_semaphore, #tpu.memory_space<semaphore_mem>>) src(%arg4 : memref<16x1024xf32, #tpu.memory_space<vmem>>) dst(%dma_wait3A_196 : memref<16x1024xf32, #tpu.memory_space<hbm>>)
    %add3A_197 = arith.constant 224 : i32
    %add3A_198 = arith.addi %mul3A_2, %add3A_197 : i32
    %dma_start3A_199 = arith.constant 0 : i32
    %dma_start3A_200 = tpu.memref_slice %arg2[%add3A_198, %dma_start3A_199] : memref<8192x1024xf32, #tpu.memory_space<hbm>> -> memref<16x1024xf32, #tpu.memory_space<hbm>>
    %dma_start3A_201 = arith.constant 0 : i32
    %dma_start3A_202 = tpu.memref_slice %arg2[%add3A_198, %dma_start3A_201] : memref<8192x1024xf32, #tpu.memory_space<hbm>> -> memref<16x1024xf32, #tpu.memory_space<hbm>>
    tpu.enqueue_dma source(%dma_start3A_202 : memref<16x1024xf32, #tpu.memory_space<hbm>>) target(%arg4 : memref<16x1024xf32, #tpu.memory_space<vmem>>) target_semaphore(%arg11 : memref<!tpu.dma_semaphore, #tpu.memory_space<semaphore_mem>>)
    %dma_wait3A_203 = arith.constant 0 : i32
    %dma_wait3A_204 = tpu.memref_slice %arg2[%add3A_78, %dma_wait3A_203] : memref<8192x1024xf32, #tpu.memory_space<hbm>> -> memref<16x1024xf32, #tpu.memory_space<hbm>>
    %dma_wait3A_205 = arith.constant 0 : i32
    %dma_wait3A_206 = tpu.memref_slice %arg2[%add3A_78, %dma_wait3A_205] : memref<8192x1024xf32, #tpu.memory_space<hbm>> -> memref<16x1024xf32, #tpu.memory_space<hbm>>
    tpu.wait_dma2 semaphore(%arg12 : memref<!tpu.dma_semaphore, #tpu.memory_space<semaphore_mem>>) src(%dma_wait3A_206 : memref<16x1024xf32, #tpu.memory_space<hbm>>) dst(%arg5 : memref<16x1024xf32, #tpu.memory_space<vmem>>)
    %add3A_207 = arith.constant 128 : i32
    %add3A_208 = arith.addi %mul3A_2, %add3A_207 : i32
    %dma_start3A_209 = arith.constant 0 : i32
    %dma_start3A_210 = tpu.memref_slice %arg3[%add3A_208, %dma_start3A_209] : memref<8192x1024xf32, #tpu.memory_space<hbm>> -> memref<16x1024xf32, #tpu.memory_space<hbm>>
    %dma_start3A_211 = arith.constant 0 : i32
    %dma_start3A_212 = tpu.memref_slice %arg3[%add3A_208, %dma_start3A_211] : memref<8192x1024xf32, #tpu.memory_space<hbm>> -> memref<16x1024xf32, #tpu.memory_space<hbm>>
    tpu.enqueue_dma source(%arg5 : memref<16x1024xf32, #tpu.memory_space<vmem>>) target(%dma_start3A_212 : memref<16x1024xf32, #tpu.memory_space<hbm>>) target_semaphore(%arg19 : memref<!tpu.dma_semaphore, #tpu.memory_space<semaphore_mem>>)
    %dma_wait3A_213 = arith.constant 0 : i32
    %dma_wait3A_214 = tpu.memref_slice %arg3[%add3A_208, %dma_wait3A_213] : memref<8192x1024xf32, #tpu.memory_space<hbm>> -> memref<16x1024xf32, #tpu.memory_space<hbm>>
    %dma_wait3A_215 = arith.constant 0 : i32
    %dma_wait3A_216 = tpu.memref_slice %arg3[%add3A_208, %dma_wait3A_215] : memref<8192x1024xf32, #tpu.memory_space<hbm>> -> memref<16x1024xf32, #tpu.memory_space<hbm>>
    tpu.wait_dma2 semaphore(%arg19 : memref<!tpu.dma_semaphore, #tpu.memory_space<semaphore_mem>>) src(%arg5 : memref<16x1024xf32, #tpu.memory_space<vmem>>) dst(%dma_wait3A_216 : memref<16x1024xf32, #tpu.memory_space<hbm>>)
    %add3A_217 = arith.constant 240 : i32
    %add3A_218 = arith.addi %mul3A_2, %add3A_217 : i32
    %dma_start3A_219 = arith.constant 0 : i32
    %dma_start3A_220 = tpu.memref_slice %arg2[%add3A_218, %dma_start3A_219] : memref<8192x1024xf32, #tpu.memory_space<hbm>> -> memref<16x1024xf32, #tpu.memory_space<hbm>>
    %dma_start3A_221 = arith.constant 0 : i32
    %dma_start3A_222 = tpu.memref_slice %arg2[%add3A_218, %dma_start3A_221] : memref<8192x1024xf32, #tpu.memory_space<hbm>> -> memref<16x1024xf32, #tpu.memory_space<hbm>>
    tpu.enqueue_dma source(%dma_start3A_222 : memref<16x1024xf32, #tpu.memory_space<hbm>>) target(%arg5 : memref<16x1024xf32, #tpu.memory_space<vmem>>) target_semaphore(%arg12 : memref<!tpu.dma_semaphore, #tpu.memory_space<semaphore_mem>>)
    %dma_wait3A_223 = arith.constant 0 : i32
    %dma_wait3A_224 = tpu.memref_slice %arg2[%add3A_98, %dma_wait3A_223] : memref<8192x1024xf32, #tpu.memory_space<hbm>> -> memref<16x1024xf32, #tpu.memory_space<hbm>>
    %dma_wait3A_225 = arith.constant 0 : i32
    %dma_wait3A_226 = tpu.memref_slice %arg2[%add3A_98, %dma_wait3A_225] : memref<8192x1024xf32, #tpu.memory_space<hbm>> -> memref<16x1024xf32, #tpu.memory_space<hbm>>
    tpu.wait_dma2 semaphore(%arg13 : memref<!tpu.dma_semaphore, #tpu.memory_space<semaphore_mem>>) src(%dma_wait3A_226 : memref<16x1024xf32, #tpu.memory_space<hbm>>) dst(%arg6 : memref<16x1024xf32, #tpu.memory_space<vmem>>)
    %add3A_227 = arith.constant 144 : i32
    %add3A_228 = arith.addi %mul3A_2, %add3A_227 : i32
    %dma_start3A_229 = arith.constant 0 : i32
    %dma_start3A_230 = tpu.memref_slice %arg3[%add3A_228, %dma_start3A_229] : memref<8192x1024xf32, #tpu.memory_space<hbm>> -> memref<16x1024xf32, #tpu.memory_space<hbm>>
    %dma_start3A_231 = arith.constant 0 : i32
    %dma_start3A_232 = tpu.memref_slice %arg3[%add3A_228, %dma_start3A_231] : memref<8192x1024xf32, #tpu.memory_space<hbm>> -> memref<16x1024xf32, #tpu.memory_space<hbm>>
    tpu.enqueue_dma source(%arg6 : memref<16x1024xf32, #tpu.memory_space<vmem>>) target(%dma_start3A_232 : memref<16x1024xf32, #tpu.memory_space<hbm>>) target_semaphore(%arg20 : memref<!tpu.dma_semaphore, #tpu.memory_space<semaphore_mem>>)
    %dma_wait3A_233 = arith.constant 0 : i32
    %dma_wait3A_234 = tpu.memref_slice %arg2[%add3A_118, %dma_wait3A_233] : memref<8192x1024xf32, #tpu.memory_space<hbm>> -> memref<16x1024xf32, #tpu.memory_space<hbm>>
    %dma_wait3A_235 = arith.constant 0 : i32
    %dma_wait3A_236 = tpu.memref_slice %arg2[%add3A_118, %dma_wait3A_235] : memref<8192x1024xf32, #tpu.memory_space<hbm>> -> memref<16x1024xf32, #tpu.memory_space<hbm>>
    tpu.wait_dma2 semaphore(%arg14 : memref<!tpu.dma_semaphore, #tpu.memory_space<semaphore_mem>>) src(%dma_wait3A_236 : memref<16x1024xf32, #tpu.memory_space<hbm>>) dst(%arg7 : memref<16x1024xf32, #tpu.memory_space<vmem>>)
    %add3A_237 = arith.constant 160 : i32
    %add3A_238 = arith.addi %mul3A_2, %add3A_237 : i32
    %dma_start3A_239 = arith.constant 0 : i32
    %dma_start3A_240 = tpu.memref_slice %arg3[%add3A_238, %dma_start3A_239] : memref<8192x1024xf32, #tpu.memory_space<hbm>> -> memref<16x1024xf32, #tpu.memory_space<hbm>>
    %dma_start3A_241 = arith.constant 0 : i32
    %dma_start3A_242 = tpu.memref_slice %arg3[%add3A_238, %dma_start3A_241] : memref<8192x1024xf32, #tpu.memory_space<hbm>> -> memref<16x1024xf32, #tpu.memory_space<hbm>>
    tpu.enqueue_dma source(%arg7 : memref<16x1024xf32, #tpu.memory_space<vmem>>) target(%dma_start3A_242 : memref<16x1024xf32, #tpu.memory_space<hbm>>) target_semaphore(%arg21 : memref<!tpu.dma_semaphore, #tpu.memory_space<semaphore_mem>>)
    %dma_wait3A_243 = arith.constant 0 : i32
    %dma_wait3A_244 = tpu.memref_slice %arg2[%add3A_138, %dma_wait3A_243] : memref<8192x1024xf32, #tpu.memory_space<hbm>> -> memref<16x1024xf32, #tpu.memory_space<hbm>>
    %dma_wait3A_245 = arith.constant 0 : i32
    %dma_wait3A_246 = tpu.memref_slice %arg2[%add3A_138, %dma_wait3A_245] : memref<8192x1024xf32, #tpu.memory_space<hbm>> -> memref<16x1024xf32, #tpu.memory_space<hbm>>
    tpu.wait_dma2 semaphore(%arg15 : memref<!tpu.dma_semaphore, #tpu.memory_space<semaphore_mem>>) src(%dma_wait3A_246 : memref<16x1024xf32, #tpu.memory_space<hbm>>) dst(%arg8 : memref<16x1024xf32, #tpu.memory_space<vmem>>)
    %add3A_247 = arith.constant 176 : i32
    %add3A_248 = arith.addi %mul3A_2, %add3A_247 : i32
    %dma_start3A_249 = arith.constant 0 : i32
    %dma_start3A_250 = tpu.memref_slice %arg3[%add3A_248, %dma_start3A_249] : memref<8192x1024xf32, #tpu.memory_space<hbm>> -> memref<16x1024xf32, #tpu.memory_space<hbm>>
    %dma_start3A_251 = arith.constant 0 : i32
    %dma_start3A_252 = tpu.memref_slice %arg3[%add3A_248, %dma_start3A_251] : memref<8192x1024xf32, #tpu.memory_space<hbm>> -> memref<16x1024xf32, #tpu.memory_space<hbm>>
    tpu.enqueue_dma source(%arg8 : memref<16x1024xf32, #tpu.memory_space<vmem>>) target(%dma_start3A_252 : memref<16x1024xf32, #tpu.memory_space<hbm>>) target_semaphore(%arg22 : memref<!tpu.dma_semaphore, #tpu.memory_space<semaphore_mem>>)
    %dma_wait3A_253 = arith.constant 0 : i32
    %dma_wait3A_254 = tpu.memref_slice %arg2[%add3A_158, %dma_wait3A_253] : memref<8192x1024xf32, #tpu.memory_space<hbm>> -> memref<16x1024xf32, #tpu.memory_space<hbm>>
    %dma_wait3A_255 = arith.constant 0 : i32
    %dma_wait3A_256 = tpu.memref_slice %arg2[%add3A_158, %dma_wait3A_255] : memref<8192x1024xf32, #tpu.memory_space<hbm>> -> memref<16x1024xf32, #tpu.memory_space<hbm>>
    tpu.wait_dma2 semaphore(%arg16 : memref<!tpu.dma_semaphore, #tpu.memory_space<semaphore_mem>>) src(%dma_wait3A_256 : memref<16x1024xf32, #tpu.memory_space<hbm>>) dst(%arg9 : memref<16x1024xf32, #tpu.memory_space<vmem>>)
    %add3A_257 = arith.constant 192 : i32
    %add3A_258 = arith.addi %mul3A_2, %add3A_257 : i32
    %dma_start3A_259 = arith.constant 0 : i32
    %dma_start3A_260 = tpu.memref_slice %arg3[%add3A_258, %dma_start3A_259] : memref<8192x1024xf32, #tpu.memory_space<hbm>> -> memref<16x1024xf32, #tpu.memory_space<hbm>>
    %dma_start3A_261 = arith.constant 0 : i32
    %dma_start3A_262 = tpu.memref_slice %arg3[%add3A_258, %dma_start3A_261] : memref<8192x1024xf32, #tpu.memory_space<hbm>> -> memref<16x1024xf32, #tpu.memory_space<hbm>>
    tpu.enqueue_dma source(%arg9 : memref<16x1024xf32, #tpu.memory_space<vmem>>) target(%dma_start3A_262 : memref<16x1024xf32, #tpu.memory_space<hbm>>) target_semaphore(%arg23 : memref<!tpu.dma_semaphore, #tpu.memory_space<semaphore_mem>>)
    %dma_wait3A_263 = arith.constant 0 : i32
    %dma_wait3A_264 = tpu.memref_slice %arg2[%add3A_178, %dma_wait3A_263] : memref<8192x1024xf32, #tpu.memory_space<hbm>> -> memref<16x1024xf32, #tpu.memory_space<hbm>>
    %dma_wait3A_265 = arith.constant 0 : i32
    %dma_wait3A_266 = tpu.memref_slice %arg2[%add3A_178, %dma_wait3A_265] : memref<8192x1024xf32, #tpu.memory_space<hbm>> -> memref<16x1024xf32, #tpu.memory_space<hbm>>
    tpu.wait_dma2 semaphore(%arg17 : memref<!tpu.dma_semaphore, #tpu.memory_space<semaphore_mem>>) src(%dma_wait3A_266 : memref<16x1024xf32, #tpu.memory_space<hbm>>) dst(%arg10 : memref<16x1024xf32, #tpu.memory_space<vmem>>)
    %add3A_267 = arith.constant 208 : i32
    %add3A_268 = arith.addi %mul3A_2, %add3A_267 : i32
    %dma_start3A_269 = arith.constant 0 : i32
    %dma_start3A_270 = tpu.memref_slice %arg3[%add3A_268, %dma_start3A_269] : memref<8192x1024xf32, #tpu.memory_space<hbm>> -> memref<16x1024xf32, #tpu.memory_space<hbm>>
    %dma_start3A_271 = arith.constant 0 : i32
    %dma_start3A_272 = tpu.memref_slice %arg3[%add3A_268, %dma_start3A_271] : memref<8192x1024xf32, #tpu.memory_space<hbm>> -> memref<16x1024xf32, #tpu.memory_space<hbm>>
    tpu.enqueue_dma source(%arg10 : memref<16x1024xf32, #tpu.memory_space<vmem>>) target(%dma_start3A_272 : memref<16x1024xf32, #tpu.memory_space<hbm>>) target_semaphore(%arg24 : memref<!tpu.dma_semaphore, #tpu.memory_space<semaphore_mem>>)
    %dma_wait3A_273 = arith.constant 0 : i32
    %dma_wait3A_274 = tpu.memref_slice %arg2[%add3A_198, %dma_wait3A_273] : memref<8192x1024xf32, #tpu.memory_space<hbm>> -> memref<16x1024xf32, #tpu.memory_space<hbm>>
    %dma_wait3A_275 = arith.constant 0 : i32
    %dma_wait3A_276 = tpu.memref_slice %arg2[%add3A_198, %dma_wait3A_275] : memref<8192x1024xf32, #tpu.memory_space<hbm>> -> memref<16x1024xf32, #tpu.memory_space<hbm>>
    tpu.wait_dma2 semaphore(%arg11 : memref<!tpu.dma_semaphore, #tpu.memory_space<semaphore_mem>>) src(%dma_wait3A_276 : memref<16x1024xf32, #tpu.memory_space<hbm>>) dst(%arg4 : memref<16x1024xf32, #tpu.memory_space<vmem>>)
    %add3A_277 = arith.constant 224 : i32
    %add3A_278 = arith.addi %mul3A_2, %add3A_277 : i32
    %dma_start3A_279 = arith.constant 0 : i32
    %dma_start3A_280 = tpu.memref_slice %arg3[%add3A_278, %dma_start3A_279] : memref<8192x1024xf32, #tpu.memory_space<hbm>> -> memref<16x1024xf32, #tpu.memory_space<hbm>>
    %dma_start3A_281 = arith.constant 0 : i32
    %dma_start3A_282 = tpu.memref_slice %arg3[%add3A_278, %dma_start3A_281] : memref<8192x1024xf32, #tpu.memory_space<hbm>> -> memref<16x1024xf32, #tpu.memory_space<hbm>>
    tpu.enqueue_dma source(%arg4 : memref<16x1024xf32, #tpu.memory_space<vmem>>) target(%dma_start3A_282 : memref<16x1024xf32, #tpu.memory_space<hbm>>) target_semaphore(%arg18 : memref<!tpu.dma_semaphore, #tpu.memory_space<semaphore_mem>>)
    %dma_wait3A_283 = arith.constant 0 : i32
    %dma_wait3A_284 = tpu.memref_slice %arg2[%add3A_218, %dma_wait3A_283] : memref<8192x1024xf32, #tpu.memory_space<hbm>> -> memref<16x1024xf32, #tpu.memory_space<hbm>>
    %dma_wait3A_285 = arith.constant 0 : i32
    %dma_wait3A_286 = tpu.memref_slice %arg2[%add3A_218, %dma_wait3A_285] : memref<8192x1024xf32, #tpu.memory_space<hbm>> -> memref<16x1024xf32, #tpu.memory_space<hbm>>
    tpu.wait_dma2 semaphore(%arg12 : memref<!tpu.dma_semaphore, #tpu.memory_space<semaphore_mem>>) src(%dma_wait3A_286 : memref<16x1024xf32, #tpu.memory_space<hbm>>) dst(%arg5 : memref<16x1024xf32, #tpu.memory_space<vmem>>)
    %add3A_287 = arith.constant 240 : i32
    %add3A_288 = arith.addi %mul3A_2, %add3A_287 : i32
    %dma_start3A_289 = arith.constant 0 : i32
    %dma_start3A_290 = tpu.memref_slice %arg3[%add3A_288, %dma_start3A_289] : memref<8192x1024xf32, #tpu.memory_space<hbm>> -> memref<16x1024xf32, #tpu.memory_space<hbm>>
    %dma_start3A_291 = arith.constant 0 : i32
    %dma_start3A_292 = tpu.memref_slice %arg3[%add3A_288, %dma_start3A_291] : memref<8192x1024xf32, #tpu.memory_space<hbm>> -> memref<16x1024xf32, #tpu.memory_space<hbm>>
    tpu.enqueue_dma source(%arg5 : memref<16x1024xf32, #tpu.memory_space<vmem>>) target(%dma_start3A_292 : memref<16x1024xf32, #tpu.memory_space<hbm>>) target_semaphore(%arg19 : memref<!tpu.dma_semaphore, #tpu.memory_space<semaphore_mem>>)
    %dma_wait3A_293 = arith.constant 0 : i32
    %dma_wait3A_294 = tpu.memref_slice %arg3[%add3A_228, %dma_wait3A_293] : memref<8192x1024xf32, #tpu.memory_space<hbm>> -> memref<16x1024xf32, #tpu.memory_space<hbm>>
    %dma_wait3A_295 = arith.constant 0 : i32
    %dma_wait3A_296 = tpu.memref_slice %arg3[%add3A_228, %dma_wait3A_295] : memref<8192x1024xf32, #tpu.memory_space<hbm>> -> memref<16x1024xf32, #tpu.memory_space<hbm>>
    tpu.wait_dma2 semaphore(%arg20 : memref<!tpu.dma_semaphore, #tpu.memory_space<semaphore_mem>>) src(%arg6 : memref<16x1024xf32, #tpu.memory_space<vmem>>) dst(%dma_wait3A_296 : memref<16x1024xf32, #tpu.memory_space<hbm>>)
    %dma_wait3A_297 = arith.constant 0 : i32
    %dma_wait3A_298 = tpu.memref_slice %arg3[%add3A_238, %dma_wait3A_297] : memref<8192x1024xf32, #tpu.memory_space<hbm>> -> memref<16x1024xf32, #tpu.memory_space<hbm>>
    %dma_wait3A_299 = arith.constant 0 : i32
    %dma_wait3A_300 = tpu.memref_slice %arg3[%add3A_238, %dma_wait3A_299] : memref<8192x1024xf32, #tpu.memory_space<hbm>> -> memref<16x1024xf32, #tpu.memory_space<hbm>>
    tpu.wait_dma2 semaphore(%arg21 : memref<!tpu.dma_semaphore, #tpu.memory_space<semaphore_mem>>) src(%arg7 : memref<16x1024xf32, #tpu.memory_space<vmem>>) dst(%dma_wait3A_300 : memref<16x1024xf32, #tpu.memory_space<hbm>>)
    %dma_wait3A_301 = arith.constant 0 : i32
    %dma_wait3A_302 = tpu.memref_slice %arg3[%add3A_248, %dma_wait3A_301] : memref<8192x1024xf32, #tpu.memory_space<hbm>> -> memref<16x1024xf32, #tpu.memory_space<hbm>>
    %dma_wait3A_303 = arith.constant 0 : i32
    %dma_wait3A_304 = tpu.memref_slice %arg3[%add3A_248, %dma_wait3A_303] : memref<8192x1024xf32, #tpu.memory_space<hbm>> -> memref<16x1024xf32, #tpu.memory_space<hbm>>
    tpu.wait_dma2 semaphore(%arg22 : memref<!tpu.dma_semaphore, #tpu.memory_space<semaphore_mem>>) src(%arg8 : memref<16x1024xf32, #tpu.memory_space<vmem>>) dst(%dma_wait3A_304 : memref<16x1024xf32, #tpu.memory_space<hbm>>)
    %dma_wait3A_305 = arith.constant 0 : i32
    %dma_wait3A_306 = tpu.memref_slice %arg3[%add3A_258, %dma_wait3A_305] : memref<8192x1024xf32, #tpu.memory_space<hbm>> -> memref<16x1024xf32, #tpu.memory_space<hbm>>
    %dma_wait3A_307 = arith.constant 0 : i32
    %dma_wait3A_308 = tpu.memref_slice %arg3[%add3A_258, %dma_wait3A_307] : memref<8192x1024xf32, #tpu.memory_space<hbm>> -> memref<16x1024xf32, #tpu.memory_space<hbm>>
    tpu.wait_dma2 semaphore(%arg23 : memref<!tpu.dma_semaphore, #tpu.memory_space<semaphore_mem>>) src(%arg9 : memref<16x1024xf32, #tpu.memory_space<vmem>>) dst(%dma_wait3A_308 : memref<16x1024xf32, #tpu.memory_space<hbm>>)
    %dma_wait3A_309 = arith.constant 0 : i32
    %dma_wait3A_310 = tpu.memref_slice %arg3[%add3A_268, %dma_wait3A_309] : memref<8192x1024xf32, #tpu.memory_space<hbm>> -> memref<16x1024xf32, #tpu.memory_space<hbm>>
    %dma_wait3A_311 = arith.constant 0 : i32
    %dma_wait3A_312 = tpu.memref_slice %arg3[%add3A_268, %dma_wait3A_311] : memref<8192x1024xf32, #tpu.memory_space<hbm>> -> memref<16x1024xf32, #tpu.memory_space<hbm>>
    tpu.wait_dma2 semaphore(%arg24 : memref<!tpu.dma_semaphore, #tpu.memory_space<semaphore_mem>>) src(%arg10 : memref<16x1024xf32, #tpu.memory_space<vmem>>) dst(%dma_wait3A_312 : memref<16x1024xf32, #tpu.memory_space<hbm>>)
    %dma_wait3A_313 = arith.constant 0 : i32
    %dma_wait3A_314 = tpu.memref_slice %arg3[%add3A_278, %dma_wait3A_313] : memref<8192x1024xf32, #tpu.memory_space<hbm>> -> memref<16x1024xf32, #tpu.memory_space<hbm>>
    %dma_wait3A_315 = arith.constant 0 : i32
    %dma_wait3A_316 = tpu.memref_slice %arg3[%add3A_278, %dma_wait3A_315] : memref<8192x1024xf32, #tpu.memory_space<hbm>> -> memref<16x1024xf32, #tpu.memory_space<hbm>>
    tpu.wait_dma2 semaphore(%arg18 : memref<!tpu.dma_semaphore, #tpu.memory_space<semaphore_mem>>) src(%arg4 : memref<16x1024xf32, #tpu.memory_space<vmem>>) dst(%dma_wait3A_316 : memref<16x1024xf32, #tpu.memory_space<hbm>>)
    %dma_wait3A_317 = arith.constant 0 : i32
    %dma_wait3A_318 = tpu.memref_slice %arg3[%add3A_288, %dma_wait3A_317] : memref<8192x1024xf32, #tpu.memory_space<hbm>> -> memref<16x1024xf32, #tpu.memory_space<hbm>>
    %dma_wait3A_319 = arith.constant 0 : i32
    %dma_wait3A_320 = tpu.memref_slice %arg3[%add3A_288, %dma_wait3A_319] : memref<8192x1024xf32, #tpu.memory_space<hbm>> -> memref<16x1024xf32, #tpu.memory_space<hbm>>
    tpu.wait_dma2 semaphore(%arg19 : memref<!tpu.dma_semaphore, #tpu.memory_space<semaphore_mem>>) src(%arg5 : memref<16x1024xf32, #tpu.memory_space<vmem>>) dst(%dma_wait3A_320 : memref<16x1024xf32, #tpu.memory_space<hbm>>)
    return
  }
}

</mosaic_0001>

<sc_bundles>
// kernel: kernel.3.cloned.1.call-start
scs
__scs_entry_jumppad:
0x0: {  	(pc) =	sbr.rel $0x88, $3  }
0x1: {  	(tag) =	ssettag $0x0;
	lr =	simm.s32 $0x1  }
0x2: {  	[smem:$0x3FA0] =	sst lr;
	_ =	strace $0xD0000000  }
0x3: {  	_ = 	snop  }
0x4: {  	_ = 	snop  }
0x5: {  	_ = 	snop  }
0x6: {  	_ = 	snop  }
0x7: {  	_ = 	snop  }
__scs_overlays_trampoline_lowered:
0x8: {  	[smem:$0x3FAF] =	sst s0  }
0x9: {  	[smem:$0x3FB0] =	sst s1  }
0xa: {  	[smem:$0x3FB1] =	sst s2  }
0xb: {  	[smem:$0x3FB2] =	sst s3  }
0xc: {  	[smem:$0x3FB3] =	sst s4  }
0xd: {  	[smem:$0x3FB4] =	sst s5  }
0xe: {  	[smem:$0x3FB5] =	sst s6  }
0xf: {  	[smem:$0x3FB6] =	sst s7  }
0x10: {  	[smem:$0x3FB7] =	sst s8  }
0x11: {  	[smem:$0x3FB8] =	sst s9;
	s0 =	simm.s32 @!p0 $0x0  }
0x12: {  	s1 =	sld [smem:$0x3F9E];
	s0 =	simm.s32 @p0 $0x1  }
0x13: {  	[smem:$0x3FB9] =	sst s0;
	s0 =	simm.s32 @!p1 $0x0  }
0x14: {  	s2 =	sld [smem:$0x3F9D];
	s0 =	simm.s32 @p1 $0x1  }
0x15: {  	[smem:$0x3FBA] =	sst s0;
	s0 =	simm.s32 @!p2 $0x0  }
0x16: {  	s3 =	sld [smem:$0x3FDB];
	s0 =	simm.s32 @p2 $0x1  }
0x17: {  	s4 =	simm.s32 $0x1BF5;
	[smem:$0x3FBC] =	sst s0  }
0x18: {  	s0 =	sld [smem:$0x3F9F];
	_ =	swait.ge [sflag:s4], $0x0  }
0x19: {  	s7 =	sld [smem:$0x3FA0]  }
0x1a: {  	s8 =	sadd.s32 $0xFFFFE003, lr  }
0x1b: {  	s9 =	sadd.s32 $0xFFFFFEF7, lr;
	s5 =	simm.s32 $0xFFFFFFFF;
	p2 =	slt.u32 s8, $0xFFFFF086  }
0x1c: {  	p1 =	slt.u32 s9, $0xF7A;
	s5 =	simm.s32 @!p2 $0x0  }
0x1d: {  	s5 =	simm.s32 @p1 $0x1;
	p0 =	seq.s32 s7, s2  }
0x1e: {  	s7 =	smul.u32 @!p0 $0xF7A, s2;
	p2 =	seq.s32 @!p0 s5, $0x0  }
0x1f: {  	s9 =	smul.u32 $0xF7A, s1;
	s8 =	simm.s32 @!p0 $0x1BF5;
	p2 =	por !p2, p0  }
0x20: {  	[sflag:s8] =	ssyncset.s32 @!p0 $0xFFFFF086;
	s6 =	sadd.s32 @!p0 s3, s7;
	s7 =	simm.s32 @!p0 $0x108  }
0x21: {  	s3 =	sadd.s32 s3, s9;
	s6 =	sadd.s32 @!p0 $0x88, s6;
	s7 =	simm.s32 @p2 $0x1082  }
0x22: {  	[simem:s7], [sflag:s8] =	dma.local @!p0 [hbm:s6], $0xF7A  }
0x23: {  	s9 =	sor.u32 $0xD0000000, s2;
	s6 =	simm.s32 $0x108;
	_ =	swait.ge @!p0 [sflag:s8], $0x0  }
0x24: {  	s3 =	sadd.s32 $0x88, s3;
	s6 =	simm.s32 @!p1 $0x1082;
	[sflag:s4] =	ssyncset.s32 $0xFFFFF086  }
0x25: {  	[simem:s6], [sflag:s4] =	dma.local [hbm:s3], $0xF7A  }
0x26: {  	[smem:$0x3FA0] =	sst s1;
	(tag) =	ssettag s2;
	_ =	strace s9  }
0x27: {  	s1 =	sld [smem:$0x3FB0]  }
0x28: {  	s2 =	sld [smem:$0x3FB1]  }
0x29: {  	s4 =	sld [smem:$0x3FB3]  }
0x2a: {  	p0 =	seq.s32 s5, $0x0;
	s5 =	sld [smem:$0x3FB4]  }
0x2b: {  	s6 =	sld [smem:$0x3FB5]  }
0x2c: {  	s7 =	sld [smem:$0x3FB6]  }
0x2d: {  	s3 =	simm.s32 $0x108;
	s8 =	sld [smem:$0x3FB7]  }
0x2e: {  	s3 =	simm.s32 @!p0 $0x1082;
	s9 =	sld [smem:$0x3FB8]  }
0x2f: {  	lr =	sadd.s32 s0, s3;
	s0 =	sld [smem:$0x3FAF]  }
0x30: {  	s3 =	sld [smem:$0x3FB2]  }
0x31: {  	[smem:$0x3FBB] =	sst s10  }
0x32: {  	s10 =	sld [smem:$0x3FB9];
	_ =	sdelay $0x3  }
0x33: {  	p0 =	seq.s32 s10, $0x1;
	s10 =	sld [smem:$0x3FBB];
	_ =	sdelay $0x3  }
0x34: {  	[smem:$0x3FBB] =	sst s10  }
0x35: {  	s10 =	sld [smem:$0x3FBA];
	_ =	sdelay $0x3  }
0x36: {  	p1 =	seq.s32 s10, $0x1;
	s10 =	sld [smem:$0x3FBB];
	_ =	sdelay $0x3  }
0x37: {  	[smem:$0x3FBB] =	sst s10  }
0x38: {  	s10 =	sld [smem:$0x3FBC]  }
0x39: {  	_ = 	snop;
	(pc) =	sbr.ind lr, $3  }
0x3a: {  	_ = 	snop  }
0x3b: {  	_ = 	snop  }
0x3c: {  	p2 =	seq.s32 s10, $0x1;
	s10 =	sld [smem:$0x3FBB]  }
0x3d: {  	_ =	shalt  }
0x3e: {  	_ =	shalt  }
0x3f: {  	_ =	shalt  }
0x40: {  	_ =	shalt  }
0x41: {  	_ =	shalt  }
0x42: {  	_ =	shalt  }
0x43: {  	_ =	shalt  }
0x44: {  	_ =	shalt  }
0x45: {  	_ =	shalt  }
0x46: {  	_ =	shalt  }
0x47: {  	_ =	shalt  }
0x48: {  	_ =	shalt  }
0x49: {  	_ =	shalt  }
0x4a: {  	_ =	shalt  }
0x4b: {  	_ =	shalt  }
0x4c: {  	_ =	shalt  }
0x4d: {  	_ =	shalt  }
0x4e: {  	_ =	shalt  }
0x4f: {  	_ =	shalt  }
0x50: {  	_ =	shalt  }
0x51: {  	_ =	shalt  }
0x52: {  	_ =	shalt  }
0x53: {  	_ =	shalt  }
0x54: {  	_ =	shalt  }
0x55: {  	_ =	shalt  }
0x56: {  	_ =	shalt  }
0x57: {  	_ =	shalt  }
0x58: {  	_ =	shalt  }
0x59: {  	_ =	shalt  }
0x5a: {  	_ =	shalt  }
0x5b: {  	_ =	shalt  }
0x5c: {  	_ =	shalt  }
0x5d: {  	_ =	shalt  }
0x5e: {  	_ =	shalt  }
0x5f: {  	_ =	shalt  }
0x60: {  	_ =	shalt  }
0x61: {  	_ =	shalt  }
0x62: {  	_ =	shalt  }
0x63: {  	_ =	shalt  }
0x64: {  	_ =	shalt  }
0x65: {  	_ =	shalt  }
0x66: {  	_ =	shalt  }
0x67: {  	_ =	shalt  }
0x68: {  	_ =	shalt  }
0x69: {  	_ =	shalt  }
0x6a: {  	_ =	shalt  }
0x6b: {  	_ =	shalt  }
0x6c: {  	_ =	shalt  }
0x6d: {  	_ =	shalt  }
0x6e: {  	_ =	shalt  }
0x6f: {  	_ =	shalt  }
0x70: {  	_ =	shalt  }
0x71: {  	_ =	shalt  }
0x72: {  	_ =	shalt  }
0x73: {  	_ =	shalt  }
0x74: {  	_ =	shalt  }
0x75: {  	_ =	shalt  }
0x76: {  	_ =	shalt  }
0x77: {  	_ =	shalt  }
0x78: {  	_ =	shalt  }
0x79: {  	_ =	shalt  }
0x7a: {  	_ =	shalt  }
0x7b: {  	_ =	shalt  }
0x7c: {  	_ =	shalt  }
0x7d: {  	_ =	shalt  }
0x7e: {  	_ =	shalt  }
0x7f: {  	_ =	shalt  }
0x80: {  	_ =	shalt  }
0x81: {  	_ =	shalt  }
0x82: {  	_ =	shalt  }
0x83: {  	_ =	shalt  }
0x84: {  	_ =	shalt  }
0x85: {  	_ =	shalt  }
0x86: {  	_ =	shalt  }
0x87: {  	_ =	shalt  }
.Lfunc_end0:
.L_simem_size_0:
called_computation_lowered:
.L_overlay_start_0:
0x88: {  	s2 =	sld [smem:$0x3FD9]  }
0x89: {  	s3 =	sld [smem:$0x3FFE];
	_ =	sdelay $0x1  }
0x8a: {  	s1 =	srdreg.scid  }
0x8b: {  	s0 =	sand.u32 $0x1, s1  }
0x8c: {  	s18 =	sshll.u32 s0, $0xA;
	s2 =	sadd.s32 s3, s2  }
0x8d: {  	s2 =	sadd.s32 s2, s18  }
0x8e: {  	[smem:$0x3FC7] =	sst s2  }
0x8f: {  	_ = 	snop  }
0x90: {  	s2 =	sld [smem:$0x3FC9]  }
0x91: {  	s19 =	sld [smem:$0x3FD0];
	(tm) =	ssettm $0x1  }
0x92: {  	s4 =	sld [smem:$0x3FFB];
	_ =	sdelay $0x3  }
0x93: {  	_ =	strace s4  }
0x94: {  	s4 =	sld [smem:$0x3FFC];
	_ =	sdelay $0x3  }
0x95: {  	_ =	strace s4  }
0x96: {  	s4 =	sld [smem:$0x3FFD];
	_ =	sdelay $0x3  }
0x97: {  	_ =	strace s4  }
0x98: {  	_ =	strace $0x8FFFFFFF  }
0x99: {  	s20 =	sld [smem:$0x3FDB];
	_ =	sdelay $0x1  }
0x9a: {  	s5 =	simm.s32 $_scs_section_size  }
0x9b: {  	s6 =	simm.s32 $_size__tile_overlayer_lowered;
	s7 =	simm.s32 $_tile_overlayer_lowered  }
0x9c: {  	s23 =	simm.s32 $0x1BFF;
	s22 =	sshll.u32 s7, $0x1;
	s4 =	sadd.s32 s5, s20  }
0x9d: {  	s8 =	simm.s32 $0x0;
	s21 =	sshll.u32 s6, $0x1;
	s6 =	sadd.s32 s22, s4  }
0x9e: {  	[timem:s8], [sflag:s23] =	dma.local [hbm:s6], s21  }
0x9f: {  	_ =	swait.ge [sflag:s23], s21  }
0xa0: {  	s5 =	ssub.s32 $0x0, s21;
	[sflag:s23] =	ssyncset.done $0x0  }
0xa1: {  	[sflag:s23] =	ssyncadd.s32 s5;
	_ =	sdelay $0x1  }
0xa2: {  	s24 =	simm.s32 $0x1B8B  }
0xa3: {  	_ =	swait.ge [sflag:s24], $0x1  }
0xa4: {  	[sflag:s24] =	ssyncset.done $0x0  }
0xa5: {  	s25 =	simm.s32 $0x1B8E;
	[sflag:s24] =	ssyncadd.s32 $0xFFFFFFFF  }
0xa6: {  	s26 =	simm.s32 $execute0_lowered;
	[smem:$0x3FD2] =	sst s25  }
0xa7: {  	s5 =	sshll.u32 s26, $0x1;
	_ =	strace $0x80000046;
	[dreg:$0x1] =	wrdreg $0xFFFFFFFF  }
0xa8: {  	s28 =	simm.s32 $_size_execute0_lowered;
	s4 =	sadd.s32 s4, s5;
	[dreg:$0x0] =	wrdreg $0x0  }
0xa9: {  	s5 =	sshll.u32 s28, $0x1;
	[dreg:$0x2] =	wrdreg s4  }
0xaa: {  	[dreg:$0x3] =	wrdreg s5  }
0xab: {  	[dreg:$0x4] =	wrdreg $0xC0  }
0xac: {  	_ =	task [dreg:s8], $0x5FFFF  }
0xad: {  	[dreg:$0x1] =	wrdreg $0xFFFFFFFF  }
0xae: {  	[dreg:$0x0] =	wrdreg $0x60  }
0xaf: {  	[dreg:$0x2] =	wrdreg s2  }
0xb0: {  	[dreg:$0x3] =	wrdreg s19  }
0xb1: {  	[dreg:$0x4] =	wrdreg $0x9  }
0xb2: {  	_ =	task.clear_ibuf [dreg:s8], $0x5FFFF;
	_ =	strace $0x90000046  }
0xb3: {  	s29 =	simm.s32 $0x9;
	_ =	strace $0x80000048  }
0xb4: {  	_ =	swait.ge [sflag:s29], $0x1  }
0xb5: {  	[sflag:s29] =	ssyncadd.s32 $0xFFFFFFFF  }
0xb6: {  	_ =	strace $0x90000048  }
0xb7: {  	_ =	sfence  }
0xb8: {  	s30 =	sld [smem:$0x0];
	_ =	sdelay $0x2  }
0xb9: {  	s31 =	sshll.u32 s1, $0xD;
	s1 =	sshrl.u32 s1, $0x2  }
0xba: {  	s3 =	sand.u32 $0x4000, s31;
	s1 =	sadd.s32 s1, s30  }
0xbb: {  	s0 =	sor.u32 s3, s0;
	s1 =	sshll.u32 s1, $0x11  }
0xbc: {  	s0 =	sor.u32 s1, s0  }
0xbd: {  	s0 =	sadd.s32 $0x8F2B, s0  }
0xbe: {  	[sflag:s0] =	ssyncadd.remote.s32 $0x1  }
0xbf: {  	_ =	sfence.sel $0xFFFF  }
0xc0: {  	[dreg:$0x0] =	wrdreg $0xFFFFFFFF;
	(pc) =	sbr.abs _section_cstart, $3  }
0xc1: {  	[dreg:$0x1] =	wrdreg $0xFFFFFFFF  }
0xc2: {  	_ =	task.clear_ibuf [dreg:s8], $0x2FFFF;
	_ =	strace $0x9FFFFFFF  }
0xc3: {  	(tm) =	ssettm $0x7FFFFFFF  }
tec
execute0_lowered:
.L_overlay_start_1:
0x0: {  	(tag) =	ssettag $0x1  }
0x1: {  	s3 =	rddreg [dreg:$0x0]  }
0x2: {  	s0 =	rddreg [dreg:$0x1];
	s1 =	srdreg.scid  }
0x3: {  	s4 =	stileid.u32;
	s2 =	simm.s32 $0x0;
	s31 =	simm.s32 $0x3  }
0x4: {  	s29 =	simm.s32 $0x4;
	p0 =	por $0x0, $0x0;
	s5 =	sand.u32 $0x1, s1  }
0x5: {  	s30 =	simm.s32 $0x5;
	s12 =	sshll.u32 s4, $0x10;
	s13 =	sshll.u32 s5, $0xF  }
0x6: {  	s28 =	simm.s32 $0x6;
	[smem:$0x7FF] =	sst s2;
	s4 =	sor.u32 s13, s12  }
0x7: {  	_ =	strace $0x80000047;
	s5 =	ssub.s32 $0x2, s5;
	s1 =	sadd.s32 s3, s4  }
0x8: {  	s6 =	sor.u32 $0x800, s4;
	s20 =	sadd.s32 s0, s4;
	[dreg:$0x3] =	wrdreg s1  }
0x9: {  	s7 =	sor.u32 $0x1000, s4;
	s14 =	sadd.s32 s3, s6;
	[dreg:$0xa] =	wrdreg s20  }
0xa: {  	s8 =	sor.u32 $0x1800, s4;
	s15 =	sadd.s32 s3, s7;
	[dreg:$0x4] =	wrdreg s14  }
0xb: {  	s9 =	sor.u32 $0x2000, s4;
	s16 =	sadd.s32 s3, s8;
	[dreg:$0x5] =	wrdreg s15  }
0xc: {  	s10 =	sor.u32 $0x2800, s4;
	s17 =	sadd.s32 s3, s9;
	[dreg:$0x6] =	wrdreg s16  }
0xd: {  	s11 =	sor.u32 $0x3000, s4;
	s18 =	sadd.s32 s3, s10;
	[dreg:$0x7] =	wrdreg s17  }
0xe: {  	s12 =	sor.u32 $0x3800, s4;
	s19 =	sadd.s32 s3, s11;
	[dreg:$0x8] =	wrdreg s18  }
0xf: {  	s23 =	sor.u32 $0x4000, s4;
	s21 =	sadd.s32 s3, s12;
	[dreg:$0x9] =	wrdreg s19  }
0x10: {  	s22 =	sadd.s32 s0, s6;
	s25 =	sadd.s32 s0, s9;
	[dreg:$0xb] =	wrdreg s21  }
0x11: {  	s9 =	sor.u32 $0x5800, s4;
	s13 =	sadd.s32 s0, s10;
	[dreg:$0xc] =	wrdreg s22  }
0x12: {  	s20 =	sadd.s32 s0, s12;
	s6 =	simm.s32 $0x4000;
	[dreg:$0x12] =	wrdreg s25  }
0x13: {  	s12 =	simm.s32 $0xA;
	s10 =	simm.s32 $0xB;
	[dreg:$0x14] =	wrdreg s13  }
0x14: {  	s14 =	sadd.s32 s3, s23;
	s15 =	sadd.s32 s0, s7;
	[dreg:$0x18] =	wrdreg s20  }
0x15: {  	s7 =	sor.u32 $0x4800, s4;
	s17 =	sadd.s32 s0, s8;
	s1 =	rddreg [dreg:$0x3]  }
0x16: {  	s18 =	sor.u32 $0x5000, s4;
	s26 =	sadd.s32 s3, s9;
	[dreg:$0xd] =	wrdreg s14  }
0x17: {  	s21 =	sor.u32 $0x7000, s4;
	s13 =	sshrl.u32 s5, $0x1;
	[dreg:$0xe] =	wrdreg s15  }
0x18: {  	s23 =	sadd.s32 s0, s23;
	s25 =	sor.u32 $0x7800, s4;
	[dreg:$0x10] =	wrdreg s17  }
0x19: {  	s16 =	sadd.s32 s3, s7;
	s24 =	sadd.s32 s3, s18;
	[dreg:$0x13] =	wrdreg s26  }
0x1a: {  	s14 =	sor.u32 $0x6000, s4;
	s17 =	sor.u32 $0x6800, s4;
	s22 =	sadd.s32 s3, s21  }
0x1b: {  	[dreg:$0x1a] =	wrdreg s23;
	s20 =	sadd.s32 s0, s7;
	s18 =	sadd.s32 s0, s18  }
0x1c: {  	s7 =	sadd.s32 s0, s21;
	s23 =	simm.s32 $0x10000;
	[dreg:$0xf] =	wrdreg s16  }
0x1d: {  	s21 =	simm.s32 $0x14000;
	s4 =	simm.s32 $0x8;
	[dreg:$0x11] =	wrdreg s24  }
0x1e: {  	s15 =	sadd.s32 s3, s14;
	s16 =	sadd.s32 s0, s11;
	s19 =	sadd.s32 s3, s17  }
0x1f: {  	[dreg:$0x19] =	wrdreg s22;
	s24 =	ssub.s32 s5, s13;
	s22 =	sadd.s32 s3, s25  }
0x20: {  	s8 =	sadd.s32 s0, s17;
	s5 =	sadd.s32 s0, s25;
	s26 =	smax.u32 s24, $0x1  }
0x21: {  	s25 =	simm.s32 $0x8000;
	s17 =	simm.s32 $0x1;
	p1 =	sne.s32 s26, $0x1  }
.Ltmp0:
0x22: {  	s3 =	simm.s32 $0x9;
	[dreg:$0x15] =	wrdreg s15;
	(pc) =	sbr.rel @!p1 .LBB2_3-.Ltmp0, $4  }
0x23: {  	s13 =	simm.s32 $0xD;
	s11 =	simm.s32 $0xE;
	[dreg:$0x16] =	wrdreg s16  }
0x24: {  	[dreg:$0x17] =	wrdreg s19;
	s16 =	sadd.s32 s0, s9;
	s9 =	sadd.s32 s0, s14  }
0x25: {  	s24 =	simm.s32 $0xC000;
	s19 =	simm.s32 $0x18000;
	s14 =	simm.s32 $0x2  }
0x26: {  	s15 =	simm.s32 $0xC;
	s0 =	sadd.s32 $0xFFFFFFFF, s26;
	s26 =	simm.s32 $0x7  }
0x27: {  	[dreg:$0x1b] =	wrdreg s0  }
0x28: {  	[tilespmem:s2], [sflag:$0x1] =	stream.linear.gather [hbm4b:s1+s2], $0x4000, $0x38;
	[tilespmem:$0x1C000] =	vst v63  }
0x29: {  	s0 =	rddreg [dreg:$0x4]  }
0x2a: {  	[tilespmem:s6], [sflag:$0x2] =	stream.linear.gather [hbm4b:s0+s2], $0x4000, $0x38;
	[tilespmem:$0x1C000] =	vst v63  }
0x2b: {  	s1 =	rddreg [dreg:$0x5]  }
0x2c: {  	[tilespmem:s25], [sflag:$0x3] =	stream.linear.gather [hbm4b:s1+s2], $0x4000, $0x38;
	[tilespmem:$0x1C000] =	vst v63  }
0x2d: {  	s0 =	rddreg [dreg:$0x6]  }
0x2e: {  	[tilespmem:s24], [sflag:$0x4] =	stream.linear.gather [hbm4b:s0+s2], $0x4000, $0x38;
	[tilespmem:$0x1C000] =	vst v63  }
0x2f: {  	s1 =	rddreg [dreg:$0x7]  }
0x30: {  	[tilespmem:s23], [sflag:$0x5] =	stream.linear.gather [hbm4b:s1+s2], $0x4000, $0x38;
	[tilespmem:$0x1C000] =	vst v63  }
0x31: {  	s0 =	rddreg [dreg:$0x8]  }
0x32: {  	[tilespmem:s21], [sflag:$0x6] =	stream.linear.gather [hbm4b:s0+s2], $0x4000, $0x38;
	[tilespmem:$0x1C000] =	vst v63  }
0x33: {  	s1 =	rddreg [dreg:$0x9]  }
0x34: {  	[tilespmem:s19], [sflag:$0x7] =	stream.linear.gather [hbm4b:s1+s2], $0x4000, $0x38;
	[tilespmem:$0x1C000] =	vst v63  }
0x35: {  	_ =	swait.ge [sflag:s17], $0x4000  }
0x36: {  	[sflag:s17] =	ssyncset.done $0x0  }
0x37: {  	s1 =	rddreg [dreg:$0xa];
	[sflag:s17] =	ssyncadd.s32 $0xFFFFC000  }
0x38: {  	[hbm4b:s1+s2] =	stream.linear.scatter [tilespmem:s2], [sflag:$0x8], $0x4000, $0x38;
	[tilespmem:$0x1C000] =	vst v63  }
0x39: {  	_ =	swait.ge [sflag:s4], $0x4000  }
0x3a: {  	[sflag:s4] =	ssyncset.done $0x0  }
0x3b: {  	s1 =	rddreg [dreg:$0xb];
	[sflag:s4] =	ssyncadd.s32 $0xFFFFC000  }
0x3c: {  	[tilespmem:s2], [sflag:$0x1] =	stream.linear.gather [hbm4b:s1+s2], $0x4000, $0x38;
	[tilespmem:$0x1C000] =	vst v63  }
0x3d: {  	_ =	swait.ge [sflag:s14], $0x4000  }
0x3e: {  	[sflag:s14] =	ssyncset.done $0x0  }
0x3f: {  	s1 =	rddreg [dreg:$0xc];
	[sflag:s14] =	ssyncadd.s32 $0xFFFFC000  }
0x40: {  	[hbm4b:s1+s2] =	stream.linear.scatter [tilespmem:s6], [sflag:$0x9], $0x4000, $0x38;
	[tilespmem:$0x1C000] =	vst v63  }
0x41: {  	_ =	swait.ge [sflag:s3], $0x4000  }
0x42: {  	[sflag:s3] =	ssyncset.done $0x0  }
0x43: {  	s1 =	rddreg [dreg:$0xd];
	[sflag:s3] =	ssyncadd.s32 $0xFFFFC000  }
0x44: {  	[tilespmem:s6], [sflag:$0x2] =	stream.linear.gather [hbm4b:s1+s2], $0x4000, $0x38;
	[tilespmem:$0x1C000] =	vst v63  }
0x45: {  	_ =	swait.ge [sflag:s31], $0x4000  }
0x46: {  	[sflag:s31] =	ssyncset.done $0x0  }
0x47: {  	s1 =	rddreg [dreg:$0xe];
	[sflag:s31] =	ssyncadd.s32 $0xFFFFC000  }
0x48: {  	[hbm4b:s1+s2] =	stream.linear.scatter [tilespmem:s25], [sflag:$0xA], $0x4000, $0x38;
	[tilespmem:$0x1C000] =	vst v63  }
0x49: {  	_ =	swait.ge [sflag:s12], $0x4000  }
0x4a: {  	[sflag:s12] =	ssyncset.done $0x0  }
0x4b: {  	s1 =	rddreg [dreg:$0xf];
	[sflag:s12] =	ssyncadd.s32 $0xFFFFC000  }
0x4c: {  	[tilespmem:s25], [sflag:$0x3] =	stream.linear.gather [hbm4b:s1+s2], $0x4000, $0x38;
	[tilespmem:$0x1C000] =	vst v63  }
0x4d: {  	_ =	swait.ge [sflag:s29], $0x4000  }
0x4e: {  	[sflag:s29] =	ssyncset.done $0x0  }
0x4f: {  	s1 =	rddreg [dreg:$0x10];
	[sflag:s29] =	ssyncadd.s32 $0xFFFFC000  }
0x50: {  	[hbm4b:s1+s2] =	stream.linear.scatter [tilespmem:s24], [sflag:$0xB], $0x4000, $0x38;
	[tilespmem:$0x1C000] =	vst v63  }
0x51: {  	_ =	swait.ge [sflag:s10], $0x4000  }
0x52: {  	[sflag:s10] =	ssyncset.done $0x0  }
0x53: {  	s1 =	rddreg [dreg:$0x11];
	[sflag:s10] =	ssyncadd.s32 $0xFFFFC000  }
0x54: {  	[tilespmem:s24], [sflag:$0x4] =	stream.linear.gather [hbm4b:s1+s2], $0x4000, $0x38;
	[tilespmem:$0x1C000] =	vst v63  }
0x55: {  	_ =	swait.ge [sflag:s30], $0x4000  }
0x56: {  	[sflag:s30] =	ssyncset.done $0x0  }
0x57: {  	s1 =	rddreg [dreg:$0x12];
	[sflag:s30] =	ssyncadd.s32 $0xFFFFC000  }
0x58: {  	[hbm4b:s1+s2] =	stream.linear.scatter [tilespmem:s23], [sflag:$0xC], $0x4000, $0x38;
	[tilespmem:$0x1C000] =	vst v63  }
0x59: {  	_ =	swait.ge [sflag:s15], $0x4000  }
0x5a: {  	[sflag:s15] =	ssyncset.done $0x0  }
0x5b: {  	s1 =	rddreg [dreg:$0x13];
	[sflag:s15] =	ssyncadd.s32 $0xFFFFC000  }
0x5c: {  	[tilespmem:s23], [sflag:$0x5] =	stream.linear.gather [hbm4b:s1+s2], $0x4000, $0x38;
	[tilespmem:$0x1C000] =	vst v63  }
0x5d: {  	_ =	swait.ge [sflag:s28], $0x4000  }
0x5e: {  	[sflag:s28] =	ssyncset.done $0x0  }
0x5f: {  	s1 =	rddreg [dreg:$0x14];
	[sflag:s28] =	ssyncadd.s32 $0xFFFFC000  }
0x60: {  	[hbm4b:s1+s2] =	stream.linear.scatter [tilespmem:s21], [sflag:$0xD], $0x4000, $0x38;
	[tilespmem:$0x1C000] =	vst v63  }
0x61: {  	_ =	swait.ge [sflag:s13], $0x4000  }
0x62: {  	[sflag:s13] =	ssyncset.done $0x0  }
0x63: {  	s1 =	rddreg [dreg:$0x15];
	[sflag:s13] =	ssyncadd.s32 $0xFFFFC000  }
0x64: {  	[tilespmem:s21], [sflag:$0x6] =	stream.linear.gather [hbm4b:s1+s2], $0x4000, $0x38;
	[tilespmem:$0x1C000] =	vst v63  }
0x65: {  	_ =	swait.ge [sflag:s26], $0x4000  }
0x66: {  	[sflag:s26] =	ssyncset.done $0x0  }
0x67: {  	s1 =	rddreg [dreg:$0x16];
	[sflag:s26] =	ssyncadd.s32 $0xFFFFC000  }
0x68: {  	[hbm4b:s1+s2] =	stream.linear.scatter [tilespmem:s19], [sflag:$0xE], $0x4000, $0x38;
	[tilespmem:$0x1C000] =	vst v63  }
0x69: {  	_ =	swait.ge [sflag:s11], $0x4000  }
0x6a: {  	[sflag:s11] =	ssyncset.done $0x0  }
0x6b: {  	s1 =	rddreg [dreg:$0x17];
	[sflag:s11] =	ssyncadd.s32 $0xFFFFC000  }
0x6c: {  	[tilespmem:s19], [sflag:$0x7] =	stream.linear.gather [hbm4b:s1+s2], $0x4000, $0x38;
	[tilespmem:$0x1C000] =	vst v63  }
0x6d: {  	_ =	swait.ge [sflag:s17], $0x4000  }
0x6e: {  	[sflag:s17] =	ssyncset.done $0x0  }
0x6f: {  	s1 =	rddreg [dreg:$0x18];
	[sflag:s17] =	ssyncadd.s32 $0xFFFFC000  }
0x70: {  	[hbm4b:s1+s2] =	stream.linear.scatter [tilespmem:s2], [sflag:$0x8], $0x4000, $0x38;
	[tilespmem:$0x1C000] =	vst v63  }
0x71: {  	_ =	swait.ge [sflag:s4], $0x4000  }
0x72: {  	[sflag:s4] =	ssyncset.done $0x0  }
0x73: {  	s1 =	rddreg [dreg:$0x19];
	[sflag:s4] =	ssyncadd.s32 $0xFFFFC000  }
0x74: {  	[tilespmem:s2], [sflag:$0x1] =	stream.linear.gather [hbm4b:s1+s2], $0x4000, $0x38;
	[tilespmem:$0x1C000] =	vst v63  }
0x75: {  	_ =	swait.ge [sflag:s14], $0x4000  }
0x76: {  	[sflag:s14] =	ssyncset.done $0x0  }
0x77: {  	s1 =	rddreg [dreg:$0x1a];
	[sflag:s14] =	ssyncadd.s32 $0xFFFFC000  }
0x78: {  	[hbm4b:s1+s2] =	stream.linear.scatter [tilespmem:s6], [sflag:$0x9], $0x4000, $0x38;
	[tilespmem:$0x1C000] =	vst v63  }
0x79: {  	_ =	swait.ge [sflag:s3], $0x4000  }
0x7a: {  	[sflag:s3] =	ssyncset.done $0x0  }
0x7b: {  	[sflag:s3] =	ssyncadd.s32 $0xFFFFC000  }
0x7c: {  	[tilespmem:s6], [sflag:$0x2] =	stream.linear.gather [hbm4b:s22+s2], $0x4000, $0x38;
	[tilespmem:$0x1C000] =	vst v63  }
0x7d: {  	_ =	swait.ge [sflag:s31], $0x4000  }
0x7e: {  	[sflag:s31] =	ssyncset.done $0x0  }
0x7f: {  	[sflag:s31] =	ssyncadd.s32 $0xFFFFC000  }
0x80: {  	[hbm4b:s20+s2] =	stream.linear.scatter [tilespmem:s25], [sflag:$0xA], $0x4000, $0x38;
	[tilespmem:$0x1C000] =	vst v63  }
0x81: {  	_ =	swait.ge [sflag:s29], $0x4000  }
0x82: {  	[sflag:s29] =	ssyncset.done $0x0  }
0x83: {  	[sflag:s29] =	ssyncadd.s32 $0xFFFFC000  }
0x84: {  	[hbm4b:s18+s2] =	stream.linear.scatter [tilespmem:s24], [sflag:$0xB], $0x4000, $0x38;
	[tilespmem:$0x1C000] =	vst v63  }
0x85: {  	_ =	swait.ge [sflag:s30], $0x4000  }
0x86: {  	[sflag:s30] =	ssyncset.done $0x0  }
0x87: {  	[sflag:s30] =	ssyncadd.s32 $0xFFFFC000  }
0x88: {  	[hbm4b:s16+s2] =	stream.linear.scatter [tilespmem:s23], [sflag:$0xC], $0x4000, $0x38;
	[tilespmem:$0x1C000] =	vst v63  }
0x89: {  	_ =	swait.ge [sflag:s28], $0x4000  }
0x8a: {  	[sflag:s28] =	ssyncset.done $0x0  }
0x8b: {  	[sflag:s28] =	ssyncadd.s32 $0xFFFFC000  }
0x8c: {  	[hbm4b:s9+s2] =	stream.linear.scatter [tilespmem:s21], [sflag:$0xD], $0x4000, $0x38;
	[tilespmem:$0x1C000] =	vst v63  }
0x8d: {  	_ =	swait.ge [sflag:s26], $0x4000  }
0x8e: {  	[sflag:s26] =	ssyncset.done $0x0  }
0x8f: {  	[sflag:s26] =	ssyncadd.s32 $0xFFFFC000  }
0x90: {  	[hbm4b:s8+s2] =	stream.linear.scatter [tilespmem:s19], [sflag:$0xE], $0x4000, $0x38;
	[tilespmem:$0x1C000] =	vst v63  }
0x91: {  	_ =	swait.ge [sflag:s17], $0x4000  }
0x92: {  	[sflag:s17] =	ssyncset.done $0x0  }
0x93: {  	[sflag:s17] =	ssyncadd.s32 $0xFFFFC000  }
0x94: {  	[hbm4b:s7+s2] =	stream.linear.scatter [tilespmem:s2], [sflag:$0x8], $0x4000, $0x38;
	[tilespmem:$0x1C000] =	vst v63  }
0x95: {  	_ =	swait.ge [sflag:s14], $0x4000  }
0x96: {  	[sflag:s14] =	ssyncset.done $0x0  }
0x97: {  	[sflag:s14] =	ssyncadd.s32 $0xFFFFC000  }
0x98: {  	[hbm4b:s5+s2] =	stream.linear.scatter [tilespmem:s6], [sflag:$0x9], $0x4000, $0x38;
	[tilespmem:$0x1C000] =	vst v63  }
0x99: {  	_ =	swait.ge [sflag:s12], $0x4000  }
0x9a: {  	[sflag:s12] =	ssyncset.done $0x0  }
0x9b: {  	[sflag:s12] =	ssyncadd.s32 $0xFFFFC000  }
0x9c: {  	_ =	swait.ge [sflag:s10], $0x4000  }
0x9d: {  	[sflag:s10] =	ssyncset.done $0x0  }
0x9e: {  	[sflag:s10] =	ssyncadd.s32 $0xFFFFC000  }
0x9f: {  	_ =	swait.ge [sflag:s15], $0x4000  }
0xa0: {  	[sflag:s15] =	ssyncset.done $0x0  }
0xa1: {  	[sflag:s15] =	ssyncadd.s32 $0xFFFFC000  }
0xa2: {  	_ =	swait.ge [sflag:s13], $0x4000  }
0xa3: {  	[sflag:s13] =	ssyncset.done $0x0  }
0xa4: {  	[sflag:s13] =	ssyncadd.s32 $0xFFFFC000  }
0xa5: {  	_ =	swait.ge [sflag:s11], $0x4000  }
0xa6: {  	[sflag:s11] =	ssyncset.done $0x0  }
0xa7: {  	[sflag:s11] =	ssyncadd.s32 $0xFFFFC000  }
0xa8: {  	_ =	swait.ge [sflag:s4], $0x4000  }
0xa9: {  	s1 =	rddreg [dreg:$0x1b]  }
0xaa: {  	p1 =	sne.s32 s1, $0x1  }
.Ltmp1:
0xab: {  	_ = 	snop;
	(pc) =	sbr.rel @!p1 .LBB2_3-.Ltmp1, $4  }
0xac: {  	[sflag:s4] =	ssyncset.done $0x0  }
0xad: {  	[sflag:s4] =	ssyncadd.s32 $0xFFFFC000  }
0xae: {  	p0 =	por $0x1, $0x1;
	_ =	swait.ge [sflag:s3], $0x4000  }
0xaf: {  	s0 =	sadd.s32 $0xFFFFFFFF, s1;
	s1 =	rddreg [dreg:$0x3];
	[sflag:s3] =	ssyncset.done $0x0  }
.LBB2_2:
0xb0: {  	[sflag:s3] =	ssyncadd.s32 $0xFFFFC000  }
0xb1: {  	s19 =	smov.u32 s22;
	s22 =	smov.u32 s20;
	s20 =	smov.u32 s18  }
0xb2: {  	s18 =	smov.u32 s16;
	s16 =	smov.u32 s9;
	s9 =	smov.u32 s8  }
0xb3: {  	s8 =	smov.u32 s7;
	s7 =	smov.u32 s5;
	s5 =	rddreg [dreg:$0x4]  }
0xb4: {  	[tilespmem:s2], [sflag:$0x1] =	stream.linear.gather [hbm4b:s1+s2], $0x4000, $0x38;
	[tilespmem:$0x1C000] =	vst v63  }
0xb5: {  	s1 =	rddreg [dreg:$0x5]  }
0xb6: {  	[tilespmem:s6], [sflag:$0x2] =	stream.linear.gather [hbm4b:s5+s2], $0x4000, $0x38;
	[tilespmem:$0x1C000] =	vst v63  }
0xb7: {  	s5 =	rddreg [dreg:$0x6]  }
0xb8: {  	[tilespmem:s25], [sflag:$0x3] =	stream.linear.gather [hbm4b:s1+s2], $0x4000, $0x38;
	[tilespmem:$0x1C000] =	vst v63  }
0xb9: {  	s1 =	rddreg [dreg:$0x7]  }
0xba: {  	[tilespmem:s24], [sflag:$0x4] =	stream.linear.gather [hbm4b:s5+s2], $0x4000, $0x38;
	[tilespmem:$0x1C000] =	vst v63  }
0xbb: {  	s5 =	rddreg [dreg:$0x8]  }
0xbc: {  	[tilespmem:s23], [sflag:$0x5] =	stream.linear.gather [hbm4b:s1+s2], $0x4000, $0x38;
	[tilespmem:$0x1C000] =	vst v63  }
0xbd: {  	s1 =	rddreg [dreg:$0x9]  }
0xbe: {  	[tilespmem:s21], [sflag:$0x6] =	stream.linear.gather [hbm4b:s5+s2], $0x4000, $0x38;
	[tilespmem:$0x1C000] =	vst v63  }
0xbf: {  	s5 =	smov.u32 s7;
	s7 =	smov.u32 s8;
	s8 =	smov.u32 s9  }
0xc0: {  	s9 =	smov.u32 s16;
	s16 =	smov.u32 s18;
	s18 =	smov.u32 s20  }
0xc1: {  	s20 =	smov.u32 s22;
	s22 =	smov.u32 s19;
	s19 =	simm.s32 $0x18000  }
0xc2: {  	[tilespmem:s19], [sflag:$0x7] =	stream.linear.gather [hbm4b:s1+s2], $0x4000, $0x38;
	[tilespmem:$0x1C000] =	vst v63  }
0xc3: {  	_ =	swait.ge [sflag:s17], $0x4000  }
0xc4: {  	[sflag:s17] =	ssyncset.done $0x0  }
0xc5: {  	s1 =	rddreg [dreg:$0xa];
	[sflag:s17] =	ssyncadd.s32 $0xFFFFC000  }
0xc6: {  	[hbm4b:s1+s2] =	stream.linear.scatter [tilespmem:s2], [sflag:$0x8], $0x4000, $0x38;
	[tilespmem:$0x1C000] =	vst v63  }
0xc7: {  	_ =	swait.ge [sflag:s4], $0x4000  }
0xc8: {  	[sflag:s4] =	ssyncset.done $0x0  }
0xc9: {  	s1 =	rddreg [dreg:$0xb];
	[sflag:s4] =	ssyncadd.s32 $0xFFFFC000  }
0xca: {  	[tilespmem:s2], [sflag:$0x1] =	stream.linear.gather [hbm4b:s1+s2], $0x4000, $0x38;
	[tilespmem:$0x1C000] =	vst v63  }
0xcb: {  	_ =	swait.ge [sflag:s14], $0x4000  }
0xcc: {  	[sflag:s14] =	ssyncset.done $0x0  }
0xcd: {  	s1 =	rddreg [dreg:$0xc];
	[sflag:s14] =	ssyncadd.s32 $0xFFFFC000  }
0xce: {  	[hbm4b:s1+s2] =	stream.linear.scatter [tilespmem:s6], [sflag:$0x9], $0x4000, $0x38;
	[tilespmem:$0x1C000] =	vst v63  }
0xcf: {  	_ =	swait.ge [sflag:s3], $0x4000  }
0xd0: {  	[sflag:s3] =	ssyncset.done $0x0  }
0xd1: {  	s1 =	rddreg [dreg:$0xd];
	[sflag:s3] =	ssyncadd.s32 $0xFFFFC000  }
0xd2: {  	[tilespmem:s6], [sflag:$0x2] =	stream.linear.gather [hbm4b:s1+s2], $0x4000, $0x38;
	[tilespmem:$0x1C000] =	vst v63  }
0xd3: {  	_ =	swait.ge [sflag:s31], $0x4000  }
0xd4: {  	[sflag:s31] =	ssyncset.done $0x0  }
0xd5: {  	s1 =	rddreg [dreg:$0xe];
	[sflag:s31] =	ssyncadd.s32 $0xFFFFC000  }
0xd6: {  	[hbm4b:s1+s2] =	stream.linear.scatter [tilespmem:s25], [sflag:$0xA], $0x4000, $0x38;
	[tilespmem:$0x1C000] =	vst v63  }
0xd7: {  	_ =	swait.ge [sflag:s12], $0x4000  }
0xd8: {  	[sflag:s12] =	ssyncset.done $0x0  }
0xd9: {  	s1 =	rddreg [dreg:$0xf];
	[sflag:s12] =	ssyncadd.s32 $0xFFFFC000  }
0xda: {  	[tilespmem:s25], [sflag:$0x3] =	stream.linear.gather [hbm4b:s1+s2], $0x4000, $0x38;
	[tilespmem:$0x1C000] =	vst v63  }
0xdb: {  	_ =	swait.ge [sflag:s29], $0x4000  }
0xdc: {  	[sflag:s29] =	ssyncset.done $0x0  }
0xdd: {  	s1 =	rddreg [dreg:$0x10];
	[sflag:s29] =	ssyncadd.s32 $0xFFFFC000  }
0xde: {  	[hbm4b:s1+s2] =	stream.linear.scatter [tilespmem:s24], [sflag:$0xB], $0x4000, $0x38;
	[tilespmem:$0x1C000] =	vst v63  }
0xdf: {  	_ =	swait.ge [sflag:s10], $0x4000  }
0xe0: {  	[sflag:s10] =	ssyncset.done $0x0  }
0xe1: {  	s1 =	rddreg [dreg:$0x11];
	[sflag:s10] =	ssyncadd.s32 $0xFFFFC000  }
0xe2: {  	[tilespmem:s24], [sflag:$0x4] =	stream.linear.gather [hbm4b:s1+s2], $0x4000, $0x38;
	[tilespmem:$0x1C000] =	vst v63  }
0xe3: {  	_ =	swait.ge [sflag:s30], $0x4000  }
0xe4: {  	[sflag:s30] =	ssyncset.done $0x0  }
0xe5: {  	s1 =	rddreg [dreg:$0x12];
	[sflag:s30] =	ssyncadd.s32 $0xFFFFC000  }
0xe6: {  	[hbm4b:s1+s2] =	stream.linear.scatter [tilespmem:s23], [sflag:$0xC], $0x4000, $0x38;
	[tilespmem:$0x1C000] =	vst v63  }
0xe7: {  	_ =	swait.ge [sflag:s15], $0x4000  }
0xe8: {  	[sflag:s15] =	ssyncset.done $0x0  }
0xe9: {  	s1 =	rddreg [dreg:$0x13];
	[sflag:s15] =	ssyncadd.s32 $0xFFFFC000  }
0xea: {  	[tilespmem:s23], [sflag:$0x5] =	stream.linear.gather [hbm4b:s1+s2], $0x4000, $0x38;
	[tilespmem:$0x1C000] =	vst v63  }
0xeb: {  	_ =	swait.ge [sflag:s28], $0x4000  }
0xec: {  	[sflag:s28] =	ssyncset.done $0x0  }
0xed: {  	s1 =	rddreg [dreg:$0x14];
	[sflag:s28] =	ssyncadd.s32 $0xFFFFC000  }
0xee: {  	[hbm4b:s1+s2] =	stream.linear.scatter [tilespmem:s21], [sflag:$0xD], $0x4000, $0x38;
	[tilespmem:$0x1C000] =	vst v63  }
0xef: {  	_ =	swait.ge [sflag:s13], $0x4000  }
0xf0: {  	[sflag:s13] =	ssyncset.done $0x0  }
0xf1: {  	s1 =	rddreg [dreg:$0x15];
	[sflag:s13] =	ssyncadd.s32 $0xFFFFC000  }
0xf2: {  	[tilespmem:s21], [sflag:$0x6] =	stream.linear.gather [hbm4b:s1+s2], $0x4000, $0x38;
	[tilespmem:$0x1C000] =	vst v63  }
0xf3: {  	_ =	swait.ge [sflag:s26], $0x4000  }
0xf4: {  	[sflag:s26] =	ssyncset.done $0x0  }
0xf5: {  	s1 =	rddreg [dreg:$0x16];
	[sflag:s26] =	ssyncadd.s32 $0xFFFFC000  }
0xf6: {  	[hbm4b:s1+s2] =	stream.linear.scatter [tilespmem:s19], [sflag:$0xE], $0x4000, $0x38;
	[tilespmem:$0x1C000] =	vst v63  }
0xf7: {  	_ =	swait.ge [sflag:s11], $0x4000  }
0xf8: {  	[sflag:s11] =	ssyncset.done $0x0  }
0xf9: {  	s1 =	rddreg [dreg:$0x17];
	[sflag:s11] =	ssyncadd.s32 $0xFFFFC000  }
0xfa: {  	[tilespmem:s19], [sflag:$0x7] =	stream.linear.gather [hbm4b:s1+s2], $0x4000, $0x38;
	[tilespmem:$0x1C000] =	vst v63  }
0xfb: {  	_ =	swait.ge [sflag:s17], $0x4000  }
0xfc: {  	[sflag:s17] =	ssyncset.done $0x0  }
0xfd: {  	s1 =	rddreg [dreg:$0x18];
	[sflag:s17] =	ssyncadd.s32 $0xFFFFC000  }
0xfe: {  	[hbm4b:s1+s2] =	stream.linear.scatter [tilespmem:s2], [sflag:$0x8], $0x4000, $0x38;
	[tilespmem:$0x1C000] =	vst v63  }
0xff: {  	_ =	swait.ge [sflag:s4], $0x4000  }
0x100: {  	[sflag:s4] =	ssyncset.done $0x0  }
0x101: {  	s1 =	rddreg [dreg:$0x19];
	[sflag:s4] =	ssyncadd.s32 $0xFFFFC000  }
0x102: {  	[tilespmem:s2], [sflag:$0x1] =	stream.linear.gather [hbm4b:s1+s2], $0x4000, $0x38;
	[tilespmem:$0x1C000] =	vst v63  }
0x103: {  	_ =	swait.ge [sflag:s14], $0x4000  }
0x104: {  	[sflag:s14] =	ssyncset.done $0x0  }
0x105: {  	s1 =	rddreg [dreg:$0x1a];
	[sflag:s14] =	ssyncadd.s32 $0xFFFFC000  }
0x106: {  	[hbm4b:s1+s2] =	stream.linear.scatter [tilespmem:s6], [sflag:$0x9], $0x4000, $0x38;
	[tilespmem:$0x1C000] =	vst v63  }
0x107: {  	_ =	swait.ge [sflag:s3], $0x4000  }
0x108: {  	[sflag:s3] =	ssyncset.done $0x0  }
0x109: {  	[sflag:s3] =	ssyncadd.s32 $0xFFFFC000  }
0x10a: {  	[tilespmem:s6], [sflag:$0x2] =	stream.linear.gather [hbm4b:s22+s2], $0x4000, $0x38;
	[tilespmem:$0x1C000] =	vst v63  }
0x10b: {  	_ =	swait.ge [sflag:s31], $0x4000  }
0x10c: {  	[sflag:s31] =	ssyncset.done $0x0  }
0x10d: {  	[sflag:s31] =	ssyncadd.s32 $0xFFFFC000  }
0x10e: {  	[hbm4b:s20+s2] =	stream.linear.scatter [tilespmem:s25], [sflag:$0xA], $0x4000, $0x38;
	[tilespmem:$0x1C000] =	vst v63  }
0x10f: {  	_ =	swait.ge [sflag:s29], $0x4000  }
0x110: {  	[sflag:s29] =	ssyncset.done $0x0  }
0x111: {  	[sflag:s29] =	ssyncadd.s32 $0xFFFFC000  }
0x112: {  	[hbm4b:s18+s2] =	stream.linear.scatter [tilespmem:s24], [sflag:$0xB], $0x4000, $0x38;
	[tilespmem:$0x1C000] =	vst v63  }
0x113: {  	_ =	swait.ge [sflag:s30], $0x4000  }
0x114: {  	[sflag:s30] =	ssyncset.done $0x0  }
0x115: {  	[sflag:s30] =	ssyncadd.s32 $0xFFFFC000  }
0x116: {  	[hbm4b:s16+s2] =	stream.linear.scatter [tilespmem:s23], [sflag:$0xC], $0x4000, $0x38;
	[tilespmem:$0x1C000] =	vst v63  }
0x117: {  	_ =	swait.ge [sflag:s28], $0x4000  }
0x118: {  	[sflag:s28] =	ssyncset.done $0x0  }
0x119: {  	[sflag:s28] =	ssyncadd.s32 $0xFFFFC000  }
0x11a: {  	[hbm4b:s9+s2] =	stream.linear.scatter [tilespmem:s21], [sflag:$0xD], $0x4000, $0x38;
	[tilespmem:$0x1C000] =	vst v63  }
0x11b: {  	_ =	swait.ge [sflag:s26], $0x4000  }
0x11c: {  	[sflag:s26] =	ssyncset.done $0x0  }
0x11d: {  	[sflag:s26] =	ssyncadd.s32 $0xFFFFC000  }
0x11e: {  	[hbm4b:s8+s2] =	stream.linear.scatter [tilespmem:s19], [sflag:$0xE], $0x4000, $0x38;
	[tilespmem:$0x1C000] =	vst v63  }
0x11f: {  	_ =	swait.ge [sflag:s17], $0x4000  }
0x120: {  	[sflag:s17] =	ssyncset.done $0x0  }
0x121: {  	[sflag:s17] =	ssyncadd.s32 $0xFFFFC000  }
0x122: {  	[hbm4b:s7+s2] =	stream.linear.scatter [tilespmem:s2], [sflag:$0x8], $0x4000, $0x38;
	[tilespmem:$0x1C000] =	vst v63  }
0x123: {  	_ =	swait.ge [sflag:s14], $0x4000  }
0x124: {  	[sflag:s14] =	ssyncset.done $0x0  }
0x125: {  	[sflag:s14] =	ssyncadd.s32 $0xFFFFC000  }
0x126: {  	[hbm4b:s5+s2] =	stream.linear.scatter [tilespmem:s6], [sflag:$0x9], $0x4000, $0x38;
	[tilespmem:$0x1C000] =	vst v63  }
0x127: {  	_ =	swait.ge [sflag:s12], $0x4000  }
0x128: {  	[sflag:s12] =	ssyncset.done $0x0  }
0x129: {  	[sflag:s12] =	ssyncadd.s32 $0xFFFFC000  }
0x12a: {  	_ =	swait.ge [sflag:s10], $0x4000  }
0x12b: {  	[sflag:s10] =	ssyncset.done $0x0  }
0x12c: {  	[sflag:s10] =	ssyncadd.s32 $0xFFFFC000  }
0x12d: {  	_ =	swait.ge [sflag:s15], $0x4000  }
0x12e: {  	[sflag:s15] =	ssyncset.done $0x0  }
0x12f: {  	[sflag:s15] =	ssyncadd.s32 $0xFFFFC000  }
0x130: {  	_ =	swait.ge [sflag:s13], $0x4000  }
0x131: {  	[sflag:s13] =	ssyncset.done $0x0  }
0x132: {  	[sflag:s13] =	ssyncadd.s32 $0xFFFFC000  }
0x133: {  	_ =	swait.ge [sflag:s11], $0x4000  }
0x134: {  	[sflag:s11] =	ssyncset.done $0x0  }
0x135: {  	p1 =	sne.s32 s0, $0x1;
	[sflag:s11] =	ssyncadd.s32 $0xFFFFC000  }
.Ltmp2:
0x136: {  	_ =	swait.ge [sflag:s4], $0x4000;
	(pc) =	sbr.rel @p1 .LBB2_2-.Ltmp2, $4  }
0x137: {  	[sflag:s4] =	ssyncset.done $0x0  }
0x138: {  	[sflag:s4] =	ssyncadd.s32 $0xFFFFC000  }
0x139: {  	_ =	swait.ge [sflag:s3], $0x4000  }
0x13a: {  	s0 =	sadd.s32 $0xFFFFFFFF, s0;
	s1 =	rddreg [dreg:$0x3];
	[sflag:s3] =	ssyncset.done $0x0  }
.LBB2_3:
0x13b: {  	[sflag:s3] =	ssyncadd.s32 @p0 $0xFFFFC000  }
0x13c: {  	[tilespmem:s2], [sflag:$0x1] =	stream.linear.gather [hbm4b:s1+s2], $0x4000, $0x38;
	[tilespmem:$0x1C000] =	vst v63  }
0x13d: {  	s0 =	rddreg [dreg:$0x4]  }
0x13e: {  	[tilespmem:s6], [sflag:$0x2] =	stream.linear.gather [hbm4b:s0+s2], $0x4000, $0x38;
	[tilespmem:$0x1C000] =	vst v63  }
0x13f: {  	s1 =	rddreg [dreg:$0x5]  }
0x140: {  	[tilespmem:s25], [sflag:$0x3] =	stream.linear.gather [hbm4b:s1+s2], $0x4000, $0x38;
	[tilespmem:$0x1C000] =	vst v63  }
0x141: {  	s0 =	rddreg [dreg:$0x6]  }
0x142: {  	[tilespmem:s24], [sflag:$0x4] =	stream.linear.gather [hbm4b:s0+s2], $0x4000, $0x38;
	[tilespmem:$0x1C000] =	vst v63  }
0x143: {  	s1 =	rddreg [dreg:$0x7]  }
0x144: {  	[tilespmem:s23], [sflag:$0x5] =	stream.linear.gather [hbm4b:s1+s2], $0x4000, $0x38;
	[tilespmem:$0x1C000] =	vst v63  }
0x145: {  	s0 =	rddreg [dreg:$0x8]  }
0x146: {  	[tilespmem:s21], [sflag:$0x6] =	stream.linear.gather [hbm4b:s0+s2], $0x4000, $0x38;
	[tilespmem:$0x1C000] =	vst v63  }
0x147: {  	s1 =	rddreg [dreg:$0x9]  }
0x148: {  	[tilespmem:s19], [sflag:$0x7] =	stream.linear.gather [hbm4b:s1+s2], $0x4000, $0x38;
	[tilespmem:$0x1C000] =	vst v63  }
0x149: {  	_ =	swait.ge [sflag:s17], $0x4000  }
0x14a: {  	[sflag:s17] =	ssyncset.done $0x0  }
0x14b: {  	s1 =	rddreg [dreg:$0xa];
	[sflag:s17] =	ssyncadd.s32 $0xFFFFC000  }
0x14c: {  	[hbm4b:s1+s2] =	stream.linear.scatter [tilespmem:s2], [sflag:$0x8], $0x4000, $0x38;
	[tilespmem:$0x1C000] =	vst v63  }
0x14d: {  	_ =	swait.ge [sflag:s4], $0x4000  }
0x14e: {  	[sflag:s4] =	ssyncset.done $0x0  }
0x14f: {  	s1 =	rddreg [dreg:$0xb];
	[sflag:s4] =	ssyncadd.s32 $0xFFFFC000  }
0x150: {  	[tilespmem:s2], [sflag:$0x1] =	stream.linear.gather [hbm4b:s1+s2], $0x4000, $0x38;
	[tilespmem:$0x1C000] =	vst v63  }
0x151: {  	_ =	swait.ge [sflag:s14], $0x4000  }
0x152: {  	[sflag:s14] =	ssyncset.done $0x0  }
0x153: {  	s1 =	rddreg [dreg:$0xc];
	[sflag:s14] =	ssyncadd.s32 $0xFFFFC000  }
0x154: {  	[hbm4b:s1+s2] =	stream.linear.scatter [tilespmem:s6], [sflag:$0x9], $0x4000, $0x38;
	[tilespmem:$0x1C000] =	vst v63  }
0x155: {  	_ =	swait.ge [sflag:s3], $0x4000  }
0x156: {  	[sflag:s3] =	ssyncset.done $0x0  }
0x157: {  	s1 =	rddreg [dreg:$0xd];
	[sflag:s3] =	ssyncadd.s32 $0xFFFFC000  }
0x158: {  	[tilespmem:s6], [sflag:$0x2] =	stream.linear.gather [hbm4b:s1+s2], $0x4000, $0x38;
	[tilespmem:$0x1C000] =	vst v63  }
0x159: {  	_ =	swait.ge [sflag:s31], $0x4000  }
0x15a: {  	[sflag:s31] =	ssyncset.done $0x0  }
0x15b: {  	s1 =	rddreg [dreg:$0xe];
	[sflag:s31] =	ssyncadd.s32 $0xFFFFC000  }
0x15c: {  	[hbm4b:s1+s2] =	stream.linear.scatter [tilespmem:s25], [sflag:$0xA], $0x4000, $0x38;
	[tilespmem:$0x1C000] =	vst v63  }
0x15d: {  	_ =	swait.ge [sflag:s12], $0x4000  }
0x15e: {  	[sflag:s12] =	ssyncset.done $0x0  }
0x15f: {  	s1 =	rddreg [dreg:$0xf];
	[sflag:s12] =	ssyncadd.s32 $0xFFFFC000  }
0x160: {  	[tilespmem:s25], [sflag:$0x3] =	stream.linear.gather [hbm4b:s1+s2], $0x4000, $0x38;
	[tilespmem:$0x1C000] =	vst v63  }
0x161: {  	_ =	swait.ge [sflag:s29], $0x4000  }
0x162: {  	[sflag:s29] =	ssyncset.done $0x0  }
0x163: {  	s1 =	rddreg [dreg:$0x10];
	[sflag:s29] =	ssyncadd.s32 $0xFFFFC000  }
0x164: {  	[hbm4b:s1+s2] =	stream.linear.scatter [tilespmem:s24], [sflag:$0xB], $0x4000, $0x38;
	[tilespmem:$0x1C000] =	vst v63  }
0x165: {  	_ =	swait.ge [sflag:s10], $0x4000  }
0x166: {  	[sflag:s10] =	ssyncset.done $0x0  }
0x167: {  	s1 =	rddreg [dreg:$0x11];
	[sflag:s10] =	ssyncadd.s32 $0xFFFFC000  }
0x168: {  	[tilespmem:s24], [sflag:$0x4] =	stream.linear.gather [hbm4b:s1+s2], $0x4000, $0x38;
	[tilespmem:$0x1C000] =	vst v63  }
0x169: {  	_ =	swait.ge [sflag:s30], $0x4000  }
0x16a: {  	[sflag:s30] =	ssyncset.done $0x0  }
0x16b: {  	s1 =	rddreg [dreg:$0x12];
	[sflag:s30] =	ssyncadd.s32 $0xFFFFC000  }
0x16c: {  	[hbm4b:s1+s2] =	stream.linear.scatter [tilespmem:s23], [sflag:$0xC], $0x4000, $0x38;
	[tilespmem:$0x1C000] =	vst v63  }
0x16d: {  	_ =	swait.ge [sflag:s15], $0x4000  }
0x16e: {  	[sflag:s15] =	ssyncset.done $0x0  }
0x16f: {  	s1 =	rddreg [dreg:$0x13];
	[sflag:s15] =	ssyncadd.s32 $0xFFFFC000  }
0x170: {  	[tilespmem:s23], [sflag:$0x5] =	stream.linear.gather [hbm4b:s1+s2], $0x4000, $0x38;
	[tilespmem:$0x1C000] =	vst v63  }
0x171: {  	_ =	swait.ge [sflag:s28], $0x4000  }
0x172: {  	[sflag:s28] =	ssyncset.done $0x0  }
0x173: {  	s1 =	rddreg [dreg:$0x14];
	[sflag:s28] =	ssyncadd.s32 $0xFFFFC000  }
0x174: {  	[hbm4b:s1+s2] =	stream.linear.scatter [tilespmem:s21], [sflag:$0xD], $0x4000, $0x38;
	[tilespmem:$0x1C000] =	vst v63  }
0x175: {  	_ =	swait.ge [sflag:s13], $0x4000  }
0x176: {  	[sflag:s13] =	ssyncset.done $0x0  }
0x177: {  	s1 =	rddreg [dreg:$0x15];
	[sflag:s13] =	ssyncadd.s32 $0xFFFFC000  }
0x178: {  	[tilespmem:s21], [sflag:$0x6] =	stream.linear.gather [hbm4b:s1+s2], $0x4000, $0x38;
	[tilespmem:$0x1C000] =	vst v63  }
0x179: {  	_ =	swait.ge [sflag:s26], $0x4000  }
0x17a: {  	[sflag:s26] =	ssyncset.done $0x0  }
0x17b: {  	s1 =	rddreg [dreg:$0x16];
	[sflag:s26] =	ssyncadd.s32 $0xFFFFC000  }
0x17c: {  	[hbm4b:s1+s2] =	stream.linear.scatter [tilespmem:s19], [sflag:$0xE], $0x4000, $0x38;
	[tilespmem:$0x1C000] =	vst v63  }
0x17d: {  	_ =	swait.ge [sflag:s11], $0x4000  }
0x17e: {  	[sflag:s11] =	ssyncset.done $0x0  }
0x17f: {  	s1 =	rddreg [dreg:$0x17];
	[sflag:s11] =	ssyncadd.s32 $0xFFFFC000  }
0x180: {  	[tilespmem:s19], [sflag:$0x7] =	stream.linear.gather [hbm4b:s1+s2], $0x4000, $0x38;
	[tilespmem:$0x1C000] =	vst v63  }
0x181: {  	_ =	swait.ge [sflag:s17], $0x4000  }
0x182: {  	[sflag:s17] =	ssyncset.done $0x0  }
0x183: {  	s1 =	rddreg [dreg:$0x18];
	[sflag:s17] =	ssyncadd.s32 $0xFFFFC000  }
0x184: {  	[hbm4b:s1+s2] =	stream.linear.scatter [tilespmem:s2], [sflag:$0x8], $0x4000, $0x38;
	[tilespmem:$0x1C000] =	vst v63  }
0x185: {  	_ =	swait.ge [sflag:s4], $0x4000  }
0x186: {  	[sflag:s4] =	ssyncset.done $0x0  }
0x187: {  	s1 =	rddreg [dreg:$0x19];
	[sflag:s4] =	ssyncadd.s32 $0xFFFFC000  }
0x188: {  	[tilespmem:s2], [sflag:$0x1] =	stream.linear.gather [hbm4b:s1+s2], $0x4000, $0x38;
	[tilespmem:$0x1C000] =	vst v63  }
0x189: {  	_ =	swait.ge [sflag:s14], $0x4000  }
0x18a: {  	[sflag:s14] =	ssyncset.done $0x0  }
0x18b: {  	s1 =	rddreg [dreg:$0x1a];
	[sflag:s14] =	ssyncadd.s32 $0xFFFFC000  }
0x18c: {  	[hbm4b:s1+s2] =	stream.linear.scatter [tilespmem:s6], [sflag:$0x9], $0x4000, $0x38;
	[tilespmem:$0x1C000] =	vst v63  }
0x18d: {  	_ =	swait.ge [sflag:s3], $0x4000  }
0x18e: {  	[sflag:s3] =	ssyncset.done $0x0  }
0x18f: {  	[sflag:s3] =	ssyncadd.s32 $0xFFFFC000  }
0x190: {  	[tilespmem:s6], [sflag:$0x2] =	stream.linear.gather [hbm4b:s22+s2], $0x4000, $0x38;
	[tilespmem:$0x1C000] =	vst v63  }
0x191: {  	_ =	swait.ge [sflag:s31], $0x4000  }
0x192: {  	[sflag:s31] =	ssyncset.done $0x0  }
0x193: {  	[sflag:s31] =	ssyncadd.s32 $0xFFFFC000  }
0x194: {  	[hbm4b:s20+s2] =	stream.linear.scatter [tilespmem:s25], [sflag:$0xA], $0x4000, $0x38;
	[tilespmem:$0x1C000] =	vst v63  }
0x195: {  	_ =	swait.ge [sflag:s29], $0x4000  }
0x196: {  	[sflag:s29] =	ssyncset.done $0x0  }
0x197: {  	[sflag:s29] =	ssyncadd.s32 $0xFFFFC000  }
0x198: {  	[hbm4b:s18+s2] =	stream.linear.scatter [tilespmem:s24], [sflag:$0xB], $0x4000, $0x38;
	[tilespmem:$0x1C000] =	vst v63  }
0x199: {  	_ =	swait.ge [sflag:s30], $0x4000  }
0x19a: {  	[sflag:s30] =	ssyncset.done $0x0  }
0x19b: {  	[sflag:s30] =	ssyncadd.s32 $0xFFFFC000  }
0x19c: {  	[hbm4b:s16+s2] =	stream.linear.scatter [tilespmem:s23], [sflag:$0xC], $0x4000, $0x38;
	[tilespmem:$0x1C000] =	vst v63  }
0x19d: {  	_ =	swait.ge [sflag:s28], $0x4000  }
0x19e: {  	[sflag:s28] =	ssyncset.done $0x0  }
0x19f: {  	[sflag:s28] =	ssyncadd.s32 $0xFFFFC000  }
0x1a0: {  	[hbm4b:s9+s2] =	stream.linear.scatter [tilespmem:s21], [sflag:$0xD], $0x4000, $0x38;
	[tilespmem:$0x1C000] =	vst v63  }
0x1a1: {  	_ =	swait.ge [sflag:s26], $0x4000  }
0x1a2: {  	[sflag:s26] =	ssyncset.done $0x0  }
0x1a3: {  	[sflag:s26] =	ssyncadd.s32 $0xFFFFC000  }
0x1a4: {  	[hbm4b:s8+s2] =	stream.linear.scatter [tilespmem:s19], [sflag:$0xE], $0x4000, $0x38;
	[tilespmem:$0x1C000] =	vst v63  }
0x1a5: {  	_ =	swait.ge [sflag:s17], $0x4000  }
0x1a6: {  	[sflag:s17] =	ssyncset.done $0x0  }
0x1a7: {  	[sflag:s17] =	ssyncadd.s32 $0xFFFFC000  }
0x1a8: {  	[hbm4b:s7+s2] =	stream.linear.scatter [tilespmem:s2], [sflag:$0x8], $0x4000, $0x38;
	[tilespmem:$0x1C000] =	vst v63  }
0x1a9: {  	_ =	swait.ge [sflag:s14], $0x4000  }
0x1aa: {  	[sflag:s14] =	ssyncset.done $0x0  }
0x1ab: {  	[sflag:s14] =	ssyncadd.s32 $0xFFFFC000  }
0x1ac: {  	[hbm4b:s5+s2] =	stream.linear.scatter [tilespmem:s6], [sflag:$0x9], $0x4000, $0x38;
	[tilespmem:$0x1C000] =	vst v63  }
0x1ad: {  	_ =	swait.ge [sflag:s12], $0x4000  }
0x1ae: {  	[sflag:s12] =	ssyncset.done $0x0  }
0x1af: {  	[sflag:s12] =	ssyncadd.s32 $0xFFFFC000  }
0x1b0: {  	_ =	swait.ge [sflag:s10], $0x4000  }
0x1b1: {  	[sflag:s10] =	ssyncset.done $0x0  }
0x1b2: {  	[sflag:s10] =	ssyncadd.s32 $0xFFFFC000  }
0x1b3: {  	_ =	swait.ge [sflag:s15], $0x4000  }
0x1b4: {  	[sflag:s15] =	ssyncset.done $0x0  }
0x1b5: {  	[sflag:s15] =	ssyncadd.s32 $0xFFFFC000  }
0x1b6: {  	_ =	swait.ge [sflag:s13], $0x4000  }
0x1b7: {  	[sflag:s13] =	ssyncset.done $0x0  }
0x1b8: {  	[sflag:s13] =	ssyncadd.s32 $0xFFFFC000  }
0x1b9: {  	_ =	swait.ge [sflag:s11], $0x4000  }
0x1ba: {  	[sflag:s11] =	ssyncset.done $0x0  }
0x1bb: {  	[sflag:s11] =	ssyncadd.s32 $0xFFFFC000  }
0x1bc: {  	_ =	swait.ge [sflag:s4], $0x4000  }
0x1bd: {  	[sflag:s4] =	ssyncset.done $0x0  }
0x1be: {  	[sflag:s4] =	ssyncadd.s32 $0xFFFFC000  }
0x1bf: {  	_ =	swait.ge [sflag:s3], $0x4000  }
0x1c0: {  	[sflag:s3] =	ssyncset.done $0x0  }
0x1c1: {  	[sflag:s3] =	ssyncadd.s32 $0xFFFFC000  }
0x1c2: {  	_ =	sfence.sel $0x180000  }
0x1c3: {  	[bflag:$0x0] =	sbarrier.arrive $0xFFFF  }
0x1c4: {  	_ =	strace $0x90000047  }
0x1c5: {  	s31 =	stileid.u32;
	[bflag:$0x2] =	sbarrier.arrive $0xFFFF  }
0x1c6: {  	p0 =	sne.s32 s31, $0x0;
	s0 =	rddreg [dreg:$0x2]  }
0x1c7: {  	s0 =	sadd.s32 @!p0 $0x100000, s0  }
0x1c8: {  	[sflag:s0] =	ssyncadd.tile.s32 @!p0 $0x1;
	_ =	shalt  }
.Lfunc_end2:
_tile_overlayer_lowered:
.L_overlay_start_2:
0x1c9: {  	(tag) =	ssettag $0x2  }
0x1ca: {  	s0 =	rddreg [dreg:$0x0];
	s2 =	stileid.u32  }
0x1cb: {  	s1 =	rddreg [dreg:$0x1];
	p0 =	sne.s32 s2, $0x0  }
0x1cc: {  	s3 =	rddreg [dreg:$0x2];
	[bflag:$0x3] =	sbarrier.arrive $0xFFFF;
	s2 =	simm.s32 @!p0 $0x1C0F  }
0x1cd: {  	[timem:s3], [sflag:s2] =	dma.local @!p0 [hbm:s0], s1  }
0x1ce: {  	s0 =	simm.s32 @!p0 $0xF  }
0x1cf: {  	_ =	swait.ge @!p0 [sflag:s0], s1  }
0x1d0: {  	s1 =	ssub.s32 @!p0 $0x0, s1;
	[sflag:s0] =	ssyncset.done @!p0 $0x0  }
0x1d1: {  	[sflag:s0] =	ssyncadd.s32 @!p0 s1  }
0x1d2: {  	[bflag:$0x3] =	sbarrier.arrive $0xFFFF  }
0x1d3: {  	_ =	shalt  }

</sc_bundles>
